<compile_context>
chip_gen: v7x
topology: tpu7x:2x2x1
jax: 0.10.2.dev20260603
libtpu: 0.0.44.dev20260713+nightly
codegen_flags: <defaults>
</compile_context>

<pallas_src>
import functools

import jax
import jax.numpy as jnp
from jax import lax
from jax.experimental import pallas as pl
from jax.experimental.pallas import tpu as pltpu
from jax.experimental.pallas import tpu_sc as plsc

VOCAB = 1_000_000
EMBED = 64
CTX = 200
NW = 32
BVL = 32768
NG = (VOCAB + BVL - 1) // BVL
REM = VOCAB - (NG - 1) * BVL



def _gather_sum_sc(idx, et):
  mesh = plsc.VectorSubcoreMesh(core_axis_name="c", subcore_axis_name="s")

  @functools.partial(
      pl.kernel,
      mesh=mesh,
      out_type=jax.ShapeDtypeStruct((NW, EMBED), jnp.float32),
      compiler_params=pltpu.CompilerParams(needs_layout_passes=False),
      scratch_types=[
          pltpu.VMEM((CTX + 24,), jnp.int32),
          pltpu.VMEM((8, EMBED, 128), jnp.float32),
          pltpu.VMEM((EMBED,), jnp.float32),
          pltpu.SemaphoreType.DMA,
      ],
  )
  def k(idx_hbm, et_hbm, p_hbm, idx_v, blk_v, acc_v, sem):
    cid = lax.axis_index("c")
    sid = lax.axis_index("s")
    w = sid * 2 + cid
    pltpu.sync_copy(idx_hbm, idx_v.at[pl.ds(0, CTX)])
    zero = jnp.zeros((16,), jnp.float32)
    rows = [lax.iota(jnp.int32, 16) + 16 * g for g in range(4)]
    for g in range(4):
      acc_v[pl.ds(16 * g, 16)] = zero

    @pl.when(w < CTX // 8)
    def _():
      vec = idx_v[pl.ds(8 * w, 16)]
      copies = []
      for e in range(8):
        c = lax.div(vec[e], 128)
        copies.append(pltpu.async_copy(
            et_hbm.at[:, pl.ds(c * 128, 128)], blk_v.at[e], sem))
      acc = [zero, zero, zero, zero]
      for e in range(8):
        copies[e].wait()
        col = jnp.full((16,), lax.rem(vec[e], 128), jnp.int32)
        buf = jnp.full((16,), e, jnp.int32)
        for g in range(4):
          acc[g] = acc[g] + plsc.load_gather(blk_v, [buf, rows[g], col])
      for g in range(4):
        acc_v[pl.ds(16 * g, 16)] = acc[g]

    pltpu.sync_copy(acc_v, p_hbm.at[w])

  return k(idx, et)



def _proj_body(p_ref, wt_ref, b_ref, out_ref, m_ref, acc_ref):
  i = pl.program_id(0)

  @pl.when(i == 0)
  def _():
    m_ref[0] = jnp.float32(-jnp.inf)
    acc_ref[0] = jnp.float32(0.0)

  s = jnp.sum(p_ref[...], axis=0, keepdims=True)
  raw = lax.dot_general(
      s, wt_ref[...],
      dimension_numbers=(((1,), (0,)), ((), ())),
      preferred_element_type=jnp.float32) + b_ref[...].reshape(1, BVL)
  col = i * BVL + lax.broadcasted_iota(jnp.int32, (1, BVL), 1)
  logits = jnp.where(col < VOCAB, raw, jnp.float32(-jnp.inf))

  @pl.when(i < NG - 1)
  def _():
    out_ref[:, pl.ds(i * BVL, BVL)] = logits

  m_old = m_ref[0]
  m_new = jnp.maximum(m_old, jnp.max(logits))
  acc_new = acc_ref[0] * jnp.exp(m_old - m_new) + jnp.sum(
      jnp.exp(logits - m_new))
  m_ref[0] = m_new
  acc_ref[0] = acc_new

  @pl.when(i == NG - 1)
  def _():
    out_ref[:, pl.ds((NG - 1) * BVL, REM)] = logits[:, :REM]
    lse = m_new + jnp.log(acc_new)

    def _sub(j, carry):
      out_ref[:, pl.ds(j * BVL, BVL)] = out_ref[:, pl.ds(j * BVL, BVL)] - lse
      return carry

    lax.fori_loop(0, NG - 1, _sub, 0)
    out_ref[:, pl.ds((NG - 1) * BVL, REM)] = (
        out_ref[:, pl.ds((NG - 1) * BVL, REM)] - lse)


def kernel(inputs, emb_table, W, b):
  idx = inputs.astype(jnp.int32)
  et = emb_table.T
  wt = W.T
  partials = _gather_sum_sc(idx, et)
  out = pl.pallas_call(
      _proj_body,
      grid=(NG,),
      in_specs=[
          pl.BlockSpec((NW, EMBED), lambda i: (0, 0)),
          pl.BlockSpec((EMBED, BVL), lambda i: (0, i)),
          pl.BlockSpec((BVL,), lambda i: (i,)),
      ],
      out_specs=pl.BlockSpec((1, VOCAB), lambda i: (0, 0)),
      out_shape=jax.ShapeDtypeStruct((1, VOCAB), jnp.float32),
      scratch_shapes=[
          pltpu.SMEM((1,), jnp.float32),
          pltpu.SMEM((1,), jnp.float32),
      ],
  )(partials, wt, b)
  return out

# --- scband reference (transcript-rebuilt; emitter-appended) ---
"""Pipeline reference for scband-cbow-32650341384495 (READ-ONLY COPY).

The authoritative reference and input builder live on the scoring server;
editing this copy changes nothing except your own understanding.
"""

import jax, jax.numpy as jnp
import numpy as np

VOCAB = 1000000
EMBED = 64
CTX = 200

def setup_inputs(seed: int = 0) -> dict:
    key = jax.random.key(seed)
    k1, k2, k3, k4 = jax.random.split(key, 4)
    inputs = jax.random.randint(k1, (CTX,), 0, VOCAB, dtype=jnp.int64)
    emb_table = jax.random.normal(k2, (VOCAB, EMBED), dtype=jnp.float32) * 0.02
    W = jax.random.normal(k3, (VOCAB, EMBED), dtype=jnp.float32) * 0.02
    b = jax.random.normal(k4, (VOCAB,), dtype=jnp.float32) * 0.02
    return {"inputs": inputs, "emb_table": emb_table, "W": W, "b": b}

def reference(inputs, emb_table, W, b):
    # nn.Embedding lookup (gather) then sum over context dim, reshape to (1, -1)
    embeds = jnp.take(emb_table, inputs, axis=0)  # [CTX, EMBED]
    summed = jnp.sum(embeds, axis=0).reshape((1, -1))  # [1, EMBED]
    # nn.Linear(embedding_dim, vocab_size): out = x @ W.T + b
    out = summed @ W.T + b  # [1, VOCAB]
    # F.log_softmax over last dim
    log_probs = out - jax.scipy.special.logsumexp(out, axis=-1, keepdims=True)
    return log_probs

if __name__ == "__main__":
    import jax
    _d = setup_inputs()
    print(jax.jit(kernel)(*tuple(_d.values())))

</pallas_src>

<mosaic_0001>
#map = affine_map<(d0, d1) -> (0)>
#map1 = affine_map<(d0, d1) -> (0, 0)>
module attributes {stable_mosaic.version = 14 : i64} {
  func.func @k(%arg0: i32, %arg1: i32, %arg2: memref<200xi32, #tpu.memory_space<hbm>>, %arg3: memref<64x1000000xf32, #tpu.memory_space<hbm>>, %arg4: memref<32x64xf32, #tpu.memory_space<hbm>>, %arg5: memref<224xi32, #tpu.memory_space<vmem>>, %arg6: memref<8x64x128xf32, #tpu.memory_space<vmem>>, %arg7: memref<64xf32, #tpu.memory_space<vmem>>, %arg8: memref<!tpu.dma_semaphore, #tpu.memory_space<semaphore_mem>>) attributes {dimension_semantics = [#tpu.dimension_semantics<core_parallel>, #tpu.dimension_semantics<subcore_parallel>], iteration_bounds = array<i64: 2, 16>, scalar_prefetch = 0 : i64, scratch_operands = 4 : i64, tpu.core_type = #tpu.core_type<sc_vector_subcore>, window_params = [{transform_indices = #map}, {transform_indices = #map1}, {transform_indices = #map1}]} {
    %mul3A = arith.constant 2 : i32
    %mul3A_0 = arith.muli %arg1, %mul3A : i32
    %add3A = arith.addi %mul3A_0, %arg0 : i32
    "tpu.region"() ({
      %run_scoped3A = tpu.sem_alloc : memref<!tpu.dma_semaphore, #tpu.memory_space<semaphore_mem>>
      %dma_start3A = arith.constant 0 : i32
      %dma_start3A_26 = tpu.memref_slice %arg5[%dma_start3A] : memref<224xi32, #tpu.memory_space<vmem>> -> memref<200xi32, #tpu.memory_space<vmem>>
      %dma_start3A_27 = arith.constant 0 : i32
      %dma_start3A_28 = tpu.memref_slice %arg5[%dma_start3A_27] : memref<224xi32, #tpu.memory_space<vmem>> -> memref<200xi32, #tpu.memory_space<vmem>>
      tpu.enqueue_dma source(%arg2 : memref<200xi32, #tpu.memory_space<hbm>>) target(%dma_start3A_28 : memref<200xi32, #tpu.memory_space<vmem>>) target_semaphore(%run_scoped3A : memref<!tpu.dma_semaphore, #tpu.memory_space<semaphore_mem>>)
      %dma_wait3A = arith.constant 0 : i32
      %dma_wait3A_29 = tpu.memref_slice %arg5[%dma_wait3A] : memref<224xi32, #tpu.memory_space<vmem>> -> memref<200xi32, #tpu.memory_space<vmem>>
      %dma_wait3A_30 = arith.constant 0 : i32
      %dma_wait3A_31 = tpu.memref_slice %arg5[%dma_wait3A_30] : memref<224xi32, #tpu.memory_space<vmem>> -> memref<200xi32, #tpu.memory_space<vmem>>
      tpu.wait_dma2 semaphore(%run_scoped3A : memref<!tpu.dma_semaphore, #tpu.memory_space<semaphore_mem>>) src(%arg2 : memref<200xi32, #tpu.memory_space<hbm>>) dst(%dma_wait3A_31 : memref<200xi32, #tpu.memory_space<vmem>>)
      tpu.yield
    }) : () -> ()
    %broadcast_in_dim3A = arith.constant 0.000000e+00 : f32
    %broadcast_in_dim3A_1 = vector.broadcast %broadcast_in_dim3A : f32 to vector<16xf32>
    %iota3A = tpu.iota {dimensions = array<i32: 0>} : vector<16xi32>
    %add3A_2 = arith.constant 0 : i32
    %add3A_3 = vector.broadcast %add3A_2 : i32 to vector<16xi32>
    %add3A_4 = arith.addi %iota3A, %add3A_3 : vector<16xi32>
    %iota3A_5 = tpu.iota {dimensions = array<i32: 0>} : vector<16xi32>
    %add3A_6 = arith.constant 16 : i32
    %add3A_7 = vector.broadcast %add3A_6 : i32 to vector<16xi32>
    %add3A_8 = arith.addi %iota3A_5, %add3A_7 : vector<16xi32>
    %iota3A_9 = tpu.iota {dimensions = array<i32: 0>} : vector<16xi32>
    %add3A_10 = arith.constant 32 : i32
    %add3A_11 = vector.broadcast %add3A_10 : i32 to vector<16xi32>
    %add3A_12 = arith.addi %iota3A_9, %add3A_11 : vector<16xi32>
    %iota3A_13 = tpu.iota {dimensions = array<i32: 0>} : vector<16xi32>
    %add3A_14 = arith.constant 48 : i32
    %add3A_15 = vector.broadcast %add3A_14 : i32 to vector<16xi32>
    %add3A_16 = arith.addi %iota3A_13, %add3A_15 : vector<16xi32>
    %swap3A = arith.constant 0 : index
    %swap3A_17 = tpu.vector_load %arg7[%swap3A] {strides = array<i32>} : memref<64xf32, #tpu.memory_space<vmem>>, vector<16xf32>,
    tpu.vector_store %arg7[%swap3A], %broadcast_in_dim3A_1 {strides = array<i32>} : memref<64xf32, #tpu.memory_space<vmem>>, vector<16xf32>,
    %swap3A_18 = arith.constant 16 : index
    %swap3A_19 = tpu.vector_load %arg7[%swap3A_18] {strides = array<i32>} : memref<64xf32, #tpu.memory_space<vmem>>, vector<16xf32>,
    tpu.vector_store %arg7[%swap3A_18], %broadcast_in_dim3A_1 {strides = array<i32>} : memref<64xf32, #tpu.memory_space<vmem>>, vector<16xf32>,
    %swap3A_20 = arith.constant 32 : index
    %swap3A_21 = tpu.vector_load %arg7[%swap3A_20] {strides = array<i32>} : memref<64xf32, #tpu.memory_space<vmem>>, vector<16xf32>,
    tpu.vector_store %arg7[%swap3A_20], %broadcast_in_dim3A_1 {strides = array<i32>} : memref<64xf32, #tpu.memory_space<vmem>>, vector<16xf32>,
    %swap3A_22 = arith.constant 48 : index
    %swap3A_23 = tpu.vector_load %arg7[%swap3A_22] {strides = array<i32>} : memref<64xf32, #tpu.memory_space<vmem>>, vector<16xf32>,
    tpu.vector_store %arg7[%swap3A_22], %broadcast_in_dim3A_1 {strides = array<i32>} : memref<64xf32, #tpu.memory_space<vmem>>, vector<16xf32>,
    %lt3A = arith.constant 25 : i32
    %lt3A_24 = arith.cmpi slt, %add3A, %lt3A : i32
    %convert_element_type3A = arith.extui %lt3A_24 : i1 to i32
    %cond3A = arith.constant 0 : i32
    %cond3A_25 = arith.cmpi ne, %convert_element_type3A, %cond3A : i32
    scf.if %cond3A_25 {
      %mul3A_26 = arith.constant 8 : i32
      %mul3A_27 = arith.muli %mul3A_26, %add3A : i32
      %get3A = arith.index_cast %mul3A_27 : i32 to index
      %get3A_28 = tpu.vector_load %arg5[%get3A] {strides = array<i32>} : memref<224xi32, #tpu.memory_space<vmem>>, vector<16xi32>,
      %slice3A = vector.extract_strided_slice %get3A_28 {offsets = [0], sizes = [1], strides = [1]} : vector<16xi32> to vector<1xi32>
      %squeeze3A = vector.extract %slice3A[0] : i32 from vector<1xi32>
      %div3A = arith.constant 128 : i32
      %div3A_29 = arith.divsi %squeeze3A, %div3A : i32
      %mul3A_30 = arith.constant 128 : i32
      %mul3A_31 = arith.muli %div3A_29, %mul3A_30 : i32
      %dma_start3A = arith.constant 0 : i32
      %dma_start3A_32 = arith.constant 0 : i32
      %dma_start3A_33 = arith.constant 0 : i32
      %dma_start3A_34 = tpu.memref_slice %arg6[%dma_start3A, %dma_start3A_32, %dma_start3A_33] : memref<8x64x128xf32, #tpu.memory_space<vmem>> -> memref<1x64x128xf32, #tpu.memory_space<vmem>>
      %dma_start3A_35 = tpu.memref_squeeze %dma_start3A_34 : memref<1x64x128xf32, #tpu.memory_space<vmem>> -> memref<64x128xf32, #tpu.memory_space<vmem>>
      %dma_start3A_36 = arith.constant 0 : i32
      %dma_start3A_37 = tpu.memref_slice %arg3[%dma_start3A_36, %mul3A_31] : memref<64x1000000xf32, #tpu.memory_space<hbm>> -> memref<64x128xf32, #tpu.memory_space<hbm>>
      %dma_start3A_38 = arith.constant 0 : i32
      %dma_start3A_39 = arith.constant 0 : i32
      %dma_start3A_40 = tpu.memref_slice %arg6[%dma_start3A, %dma_start3A_38, %dma_start3A_39] : memref<8x64x128xf32, #tpu.memory_space<vmem>> -> memref<1x64x128xf32, #tpu.memory_space<vmem>>
      %dma_start3A_41 = tpu.memref_squeeze %dma_start3A_40 : memref<1x64x128xf32, #tpu.memory_space<vmem>> -> memref<64x128xf32, #tpu.memory_space<vmem>>
      %dma_start3A_42 = arith.constant 0 : i32
      %dma_start3A_43 = tpu.memref_slice %arg3[%dma_start3A_42, %mul3A_31] : memref<64x1000000xf32, #tpu.memory_space<hbm>> -> memref<64x128xf32, #tpu.memory_space<hbm>>
      tpu.enqueue_dma source(%dma_start3A_43 : memref<64x128xf32, #tpu.memory_space<hbm>>) target(%dma_start3A_41 : memref<64x128xf32, #tpu.memory_space<vmem>>) target_semaphore(%arg8 : memref<!tpu.dma_semaphore, #tpu.memory_space<semaphore_mem>>)
      %slice3A_44 = vector.extract_strided_slice %get3A_28 {offsets = [1], sizes = [1], strides = [1]} : vector<16xi32> to vector<1xi32>
      %squeeze3A_45 = vector.extract %slice3A_44[0] : i32 from vector<1xi32>
      %div3A_46 = arith.constant 128 : i32
      %div3A_47 = arith.divsi %squeeze3A_45, %div3A_46 : i32
      %mul3A_48 = arith.constant 128 : i32
      %mul3A_49 = arith.muli %div3A_47, %mul3A_48 : i32
      %dma_start3A_50 = arith.constant 1 : i32
      %dma_start3A_51 = arith.constant 0 : i32
      %dma_start3A_52 = arith.constant 0 : i32
      %dma_start3A_53 = tpu.memref_slice %arg6[%dma_start3A_50, %dma_start3A_51, %dma_start3A_52] : memref<8x64x128xf32, #tpu.memory_space<vmem>> -> memref<1x64x128xf32, #tpu.memory_space<vmem>>
      %dma_start3A_54 = tpu.memref_squeeze %dma_start3A_53 : memref<1x64x128xf32, #tpu.memory_space<vmem>> -> memref<64x128xf32, #tpu.memory_space<vmem>>
      %dma_start3A_55 = arith.constant 0 : i32
      %dma_start3A_56 = tpu.memref_slice %arg3[%dma_start3A_55, %mul3A_49] : memref<64x1000000xf32, #tpu.memory_space<hbm>> -> memref<64x128xf32, #tpu.memory_space<hbm>>
      %dma_start3A_57 = arith.constant 0 : i32
      %dma_start3A_58 = arith.constant 0 : i32
      %dma_start3A_59 = tpu.memref_slice %arg6[%dma_start3A_50, %dma_start3A_57, %dma_start3A_58] : memref<8x64x128xf32, #tpu.memory_space<vmem>> -> memref<1x64x128xf32, #tpu.memory_space<vmem>>
      %dma_start3A_60 = tpu.memref_squeeze %dma_start3A_59 : memref<1x64x128xf32, #tpu.memory_space<vmem>> -> memref<64x128xf32, #tpu.memory_space<vmem>>
      %dma_start3A_61 = arith.constant 0 : i32
      %dma_start3A_62 = tpu.memref_slice %arg3[%dma_start3A_61, %mul3A_49] : memref<64x1000000xf32, #tpu.memory_space<hbm>> -> memref<64x128xf32, #tpu.memory_space<hbm>>
      tpu.enqueue_dma source(%dma_start3A_62 : memref<64x128xf32, #tpu.memory_space<hbm>>) target(%dma_start3A_60 : memref<64x128xf32, #tpu.memory_space<vmem>>) target_semaphore(%arg8 : memref<!tpu.dma_semaphore, #tpu.memory_space<semaphore_mem>>)
      %slice3A_63 = vector.extract_strided_slice %get3A_28 {offsets = [2], sizes = [1], strides = [1]} : vector<16xi32> to vector<1xi32>
      %squeeze3A_64 = vector.extract %slice3A_63[0] : i32 from vector<1xi32>
      %div3A_65 = arith.constant 128 : i32
      %div3A_66 = arith.divsi %squeeze3A_64, %div3A_65 : i32
      %mul3A_67 = arith.constant 128 : i32
      %mul3A_68 = arith.muli %div3A_66, %mul3A_67 : i32
      %dma_start3A_69 = arith.constant 2 : i32
      %dma_start3A_70 = arith.constant 0 : i32
      %dma_start3A_71 = arith.constant 0 : i32
      %dma_start3A_72 = tpu.memref_slice %arg6[%dma_start3A_69, %dma_start3A_70, %dma_start3A_71] : memref<8x64x128xf32, #tpu.memory_space<vmem>> -> memref<1x64x128xf32, #tpu.memory_space<vmem>>
      %dma_start3A_73 = tpu.memref_squeeze %dma_start3A_72 : memref<1x64x128xf32, #tpu.memory_space<vmem>> -> memref<64x128xf32, #tpu.memory_space<vmem>>
      %dma_start3A_74 = arith.constant 0 : i32
      %dma_start3A_75 = tpu.memref_slice %arg3[%dma_start3A_74, %mul3A_68] : memref<64x1000000xf32, #tpu.memory_space<hbm>> -> memref<64x128xf32, #tpu.memory_space<hbm>>
      %dma_start3A_76 = arith.constant 0 : i32
      %dma_start3A_77 = arith.constant 0 : i32
      %dma_start3A_78 = tpu.memref_slice %arg6[%dma_start3A_69, %dma_start3A_76, %dma_start3A_77] : memref<8x64x128xf32, #tpu.memory_space<vmem>> -> memref<1x64x128xf32, #tpu.memory_space<vmem>>
      %dma_start3A_79 = tpu.memref_squeeze %dma_start3A_78 : memref<1x64x128xf32, #tpu.memory_space<vmem>> -> memref<64x128xf32, #tpu.memory_space<vmem>>
      %dma_start3A_80 = arith.constant 0 : i32
      %dma_start3A_81 = tpu.memref_slice %arg3[%dma_start3A_80, %mul3A_68] : memref<64x1000000xf32, #tpu.memory_space<hbm>> -> memref<64x128xf32, #tpu.memory_space<hbm>>
      tpu.enqueue_dma source(%dma_start3A_81 : memref<64x128xf32, #tpu.memory_space<hbm>>) target(%dma_start3A_79 : memref<64x128xf32, #tpu.memory_space<vmem>>) target_semaphore(%arg8 : memref<!tpu.dma_semaphore, #tpu.memory_space<semaphore_mem>>)
      %slice3A_82 = vector.extract_strided_slice %get3A_28 {offsets = [3], sizes = [1], strides = [1]} : vector<16xi32> to vector<1xi32>
      %squeeze3A_83 = vector.extract %slice3A_82[0] : i32 from vector<1xi32>
      %div3A_84 = arith.constant 128 : i32
      %div3A_85 = arith.divsi %squeeze3A_83, %div3A_84 : i32
      %mul3A_86 = arith.constant 128 : i32
      %mul3A_87 = arith.muli %div3A_85, %mul3A_86 : i32
      %dma_start3A_88 = arith.constant 3 : i32
      %dma_start3A_89 = arith.constant 0 : i32
      %dma_start3A_90 = arith.constant 0 : i32
      %dma_start3A_91 = tpu.memref_slice %arg6[%dma_start3A_88, %dma_start3A_89, %dma_start3A_90] : memref<8x64x128xf32, #tpu.memory_space<vmem>> -> memref<1x64x128xf32, #tpu.memory_space<vmem>>
      %dma_start3A_92 = tpu.memref_squeeze %dma_start3A_91 : memref<1x64x128xf32, #tpu.memory_space<vmem>> -> memref<64x128xf32, #tpu.memory_space<vmem>>
      %dma_start3A_93 = arith.constant 0 : i32
      %dma_start3A_94 = tpu.memref_slice %arg3[%dma_start3A_93, %mul3A_87] : memref<64x1000000xf32, #tpu.memory_space<hbm>> -> memref<64x128xf32, #tpu.memory_space<hbm>>
      %dma_start3A_95 = arith.constant 0 : i32
      %dma_start3A_96 = arith.constant 0 : i32
      %dma_start3A_97 = tpu.memref_slice %arg6[%dma_start3A_88, %dma_start3A_95, %dma_start3A_96] : memref<8x64x128xf32, #tpu.memory_space<vmem>> -> memref<1x64x128xf32, #tpu.memory_space<vmem>>
      %dma_start3A_98 = tpu.memref_squeeze %dma_start3A_97 : memref<1x64x128xf32, #tpu.memory_space<vmem>> -> memref<64x128xf32, #tpu.memory_space<vmem>>
      %dma_start3A_99 = arith.constant 0 : i32
      %dma_start3A_100 = tpu.memref_slice %arg3[%dma_start3A_99, %mul3A_87] : memref<64x1000000xf32, #tpu.memory_space<hbm>> -> memref<64x128xf32, #tpu.memory_space<hbm>>
      tpu.enqueue_dma source(%dma_start3A_100 : memref<64x128xf32, #tpu.memory_space<hbm>>) target(%dma_start3A_98 : memref<64x128xf32, #tpu.memory_space<vmem>>) target_semaphore(%arg8 : memref<!tpu.dma_semaphore, #tpu.memory_space<semaphore_mem>>)
      %slice3A_101 = vector.extract_strided_slice %get3A_28 {offsets = [4], sizes = [1], strides = [1]} : vector<16xi32> to vector<1xi32>
      %squeeze3A_102 = vector.extract %slice3A_101[0] : i32 from vector<1xi32>
      %div3A_103 = arith.constant 128 : i32
      %div3A_104 = arith.divsi %squeeze3A_102, %div3A_103 : i32
      %mul3A_105 = arith.constant 128 : i32
      %mul3A_106 = arith.muli %div3A_104, %mul3A_105 : i32
      %dma_start3A_107 = arith.constant 4 : i32
      %dma_start3A_108 = arith.constant 0 : i32
      %dma_start3A_109 = arith.constant 0 : i32
      %dma_start3A_110 = tpu.memref_slice %arg6[%dma_start3A_107, %dma_start3A_108, %dma_start3A_109] : memref<8x64x128xf32, #tpu.memory_space<vmem>> -> memref<1x64x128xf32, #tpu.memory_space<vmem>>
      %dma_start3A_111 = tpu.memref_squeeze %dma_start3A_110 : memref<1x64x128xf32, #tpu.memory_space<vmem>> -> memref<64x128xf32, #tpu.memory_space<vmem>>
      %dma_start3A_112 = arith.constant 0 : i32
      %dma_start3A_113 = tpu.memref_slice %arg3[%dma_start3A_112, %mul3A_106] : memref<64x1000000xf32, #tpu.memory_space<hbm>> -> memref<64x128xf32, #tpu.memory_space<hbm>>
      %dma_start3A_114 = arith.constant 0 : i32
      %dma_start3A_115 = arith.constant 0 : i32
      %dma_start3A_116 = tpu.memref_slice %arg6[%dma_start3A_107, %dma_start3A_114, %dma_start3A_115] : memref<8x64x128xf32, #tpu.memory_space<vmem>> -> memref<1x64x128xf32, #tpu.memory_space<vmem>>
      %dma_start3A_117 = tpu.memref_squeeze %dma_start3A_116 : memref<1x64x128xf32, #tpu.memory_space<vmem>> -> memref<64x128xf32, #tpu.memory_space<vmem>>
      %dma_start3A_118 = arith.constant 0 : i32
      %dma_start3A_119 = tpu.memref_slice %arg3[%dma_start3A_118, %mul3A_106] : memref<64x1000000xf32, #tpu.memory_space<hbm>> -> memref<64x128xf32, #tpu.memory_space<hbm>>
      tpu.enqueue_dma source(%dma_start3A_119 : memref<64x128xf32, #tpu.memory_space<hbm>>) target(%dma_start3A_117 : memref<64x128xf32, #tpu.memory_space<vmem>>) target_semaphore(%arg8 : memref<!tpu.dma_semaphore, #tpu.memory_space<semaphore_mem>>)
      %slice3A_120 = vector.extract_strided_slice %get3A_28 {offsets = [5], sizes = [1], strides = [1]} : vector<16xi32> to vector<1xi32>
      %squeeze3A_121 = vector.extract %slice3A_120[0] : i32 from vector<1xi32>
      %div3A_122 = arith.constant 128 : i32
      %div3A_123 = arith.divsi %squeeze3A_121, %div3A_122 : i32
      %mul3A_124 = arith.constant 128 : i32
      %mul3A_125 = arith.muli %div3A_123, %mul3A_124 : i32
      %dma_start3A_126 = arith.constant 5 : i32
      %dma_start3A_127 = arith.constant 0 : i32
      %dma_start3A_128 = arith.constant 0 : i32
      %dma_start3A_129 = tpu.memref_slice %arg6[%dma_start3A_126, %dma_start3A_127, %dma_start3A_128] : memref<8x64x128xf32, #tpu.memory_space<vmem>> -> memref<1x64x128xf32, #tpu.memory_space<vmem>>
      %dma_start3A_130 = tpu.memref_squeeze %dma_start3A_129 : memref<1x64x128xf32, #tpu.memory_space<vmem>> -> memref<64x128xf32, #tpu.memory_space<vmem>>
      %dma_start3A_131 = arith.constant 0 : i32
      %dma_start3A_132 = tpu.memref_slice %arg3[%dma_start3A_131, %mul3A_125] : memref<64x1000000xf32, #tpu.memory_space<hbm>> -> memref<64x128xf32, #tpu.memory_space<hbm>>
      %dma_start3A_133 = arith.constant 0 : i32
      %dma_start3A_134 = arith.constant 0 : i32
      %dma_start3A_135 = tpu.memref_slice %arg6[%dma_start3A_126, %dma_start3A_133, %dma_start3A_134] : memref<8x64x128xf32, #tpu.memory_space<vmem>> -> memref<1x64x128xf32, #tpu.memory_space<vmem>>
      %dma_start3A_136 = tpu.memref_squeeze %dma_start3A_135 : memref<1x64x128xf32, #tpu.memory_space<vmem>> -> memref<64x128xf32, #tpu.memory_space<vmem>>
      %dma_start3A_137 = arith.constant 0 : i32
      %dma_start3A_138 = tpu.memref_slice %arg3[%dma_start3A_137, %mul3A_125] : memref<64x1000000xf32, #tpu.memory_space<hbm>> -> memref<64x128xf32, #tpu.memory_space<hbm>>
      tpu.enqueue_dma source(%dma_start3A_138 : memref<64x128xf32, #tpu.memory_space<hbm>>) target(%dma_start3A_136 : memref<64x128xf32, #tpu.memory_space<vmem>>) target_semaphore(%arg8 : memref<!tpu.dma_semaphore, #tpu.memory_space<semaphore_mem>>)
      %slice3A_139 = vector.extract_strided_slice %get3A_28 {offsets = [6], sizes = [1], strides = [1]} : vector<16xi32> to vector<1xi32>
      %squeeze3A_140 = vector.extract %slice3A_139[0] : i32 from vector<1xi32>
      %div3A_141 = arith.constant 128 : i32
      %div3A_142 = arith.divsi %squeeze3A_140, %div3A_141 : i32
      %mul3A_143 = arith.constant 128 : i32
      %mul3A_144 = arith.muli %div3A_142, %mul3A_143 : i32
      %dma_start3A_145 = arith.constant 6 : i32
      %dma_start3A_146 = arith.constant 0 : i32
      %dma_start3A_147 = arith.constant 0 : i32
      %dma_start3A_148 = tpu.memref_slice %arg6[%dma_start3A_145, %dma_start3A_146, %dma_start3A_147] : memref<8x64x128xf32, #tpu.memory_space<vmem>> -> memref<1x64x128xf32, #tpu.memory_space<vmem>>
      %dma_start3A_149 = tpu.memref_squeeze %dma_start3A_148 : memref<1x64x128xf32, #tpu.memory_space<vmem>> -> memref<64x128xf32, #tpu.memory_space<vmem>>
      %dma_start3A_150 = arith.constant 0 : i32
      %dma_start3A_151 = tpu.memref_slice %arg3[%dma_start3A_150, %mul3A_144] : memref<64x1000000xf32, #tpu.memory_space<hbm>> -> memref<64x128xf32, #tpu.memory_space<hbm>>
      %dma_start3A_152 = arith.constant 0 : i32
      %dma_start3A_153 = arith.constant 0 : i32
      %dma_start3A_154 = tpu.memref_slice %arg6[%dma_start3A_145, %dma_start3A_152, %dma_start3A_153] : memref<8x64x128xf32, #tpu.memory_space<vmem>> -> memref<1x64x128xf32, #tpu.memory_space<vmem>>
      %dma_start3A_155 = tpu.memref_squeeze %dma_start3A_154 : memref<1x64x128xf32, #tpu.memory_space<vmem>> -> memref<64x128xf32, #tpu.memory_space<vmem>>
      %dma_start3A_156 = arith.constant 0 : i32
      %dma_start3A_157 = tpu.memref_slice %arg3[%dma_start3A_156, %mul3A_144] : memref<64x1000000xf32, #tpu.memory_space<hbm>> -> memref<64x128xf32, #tpu.memory_space<hbm>>
      tpu.enqueue_dma source(%dma_start3A_157 : memref<64x128xf32, #tpu.memory_space<hbm>>) target(%dma_start3A_155 : memref<64x128xf32, #tpu.memory_space<vmem>>) target_semaphore(%arg8 : memref<!tpu.dma_semaphore, #tpu.memory_space<semaphore_mem>>)
      %slice3A_158 = vector.extract_strided_slice %get3A_28 {offsets = [7], sizes = [1], strides = [1]} : vector<16xi32> to vector<1xi32>
      %squeeze3A_159 = vector.extract %slice3A_158[0] : i32 from vector<1xi32>
      %div3A_160 = arith.constant 128 : i32
      %div3A_161 = arith.divsi %squeeze3A_159, %div3A_160 : i32
      %mul3A_162 = arith.constant 128 : i32
      %mul3A_163 = arith.muli %div3A_161, %mul3A_162 : i32
      %dma_start3A_164 = arith.constant 7 : i32
      %dma_start3A_165 = arith.constant 0 : i32
      %dma_start3A_166 = arith.constant 0 : i32
      %dma_start3A_167 = tpu.memref_slice %arg6[%dma_start3A_164, %dma_start3A_165, %dma_start3A_166] : memref<8x64x128xf32, #tpu.memory_space<vmem>> -> memref<1x64x128xf32, #tpu.memory_space<vmem>>
      %dma_start3A_168 = tpu.memref_squeeze %dma_start3A_167 : memref<1x64x128xf32, #tpu.memory_space<vmem>> -> memref<64x128xf32, #tpu.memory_space<vmem>>
      %dma_start3A_169 = arith.constant 0 : i32
      %dma_start3A_170 = tpu.memref_slice %arg3[%dma_start3A_169, %mul3A_163] : memref<64x1000000xf32, #tpu.memory_space<hbm>> -> memref<64x128xf32, #tpu.memory_space<hbm>>
      %dma_start3A_171 = arith.constant 0 : i32
      %dma_start3A_172 = arith.constant 0 : i32
      %dma_start3A_173 = tpu.memref_slice %arg6[%dma_start3A_164, %dma_start3A_171, %dma_start3A_172] : memref<8x64x128xf32, #tpu.memory_space<vmem>> -> memref<1x64x128xf32, #tpu.memory_space<vmem>>
      %dma_start3A_174 = tpu.memref_squeeze %dma_start3A_173 : memref<1x64x128xf32, #tpu.memory_space<vmem>> -> memref<64x128xf32, #tpu.memory_space<vmem>>
      %dma_start3A_175 = arith.constant 0 : i32
      %dma_start3A_176 = tpu.memref_slice %arg3[%dma_start3A_175, %mul3A_163] : memref<64x1000000xf32, #tpu.memory_space<hbm>> -> memref<64x128xf32, #tpu.memory_space<hbm>>
      tpu.enqueue_dma source(%dma_start3A_176 : memref<64x128xf32, #tpu.memory_space<hbm>>) target(%dma_start3A_174 : memref<64x128xf32, #tpu.memory_space<vmem>>) target_semaphore(%arg8 : memref<!tpu.dma_semaphore, #tpu.memory_space<semaphore_mem>>)
      %dma_wait3A = arith.constant 0 : i32
      %dma_wait3A_177 = arith.constant 0 : i32
      %dma_wait3A_178 = arith.constant 0 : i32
      %dma_wait3A_179 = tpu.memref_slice %arg6[%dma_wait3A, %dma_wait3A_177, %dma_wait3A_178] : memref<8x64x128xf32, #tpu.memory_space<vmem>> -> memref<1x64x128xf32, #tpu.memory_space<vmem>>
      %dma_wait3A_180 = tpu.memref_squeeze %dma_wait3A_179 : memref<1x64x128xf32, #tpu.memory_space<vmem>> -> memref<64x128xf32, #tpu.memory_space<vmem>>
      %dma_wait3A_181 = arith.constant 0 : i32
      %dma_wait3A_182 = tpu.memref_slice %arg3[%dma_wait3A_181, %mul3A_31] : memref<64x1000000xf32, #tpu.memory_space<hbm>> -> memref<64x128xf32, #tpu.memory_space<hbm>>
      %dma_wait3A_183 = arith.constant 0 : i32
      %dma_wait3A_184 = arith.constant 0 : i32
      %dma_wait3A_185 = tpu.memref_slice %arg6[%dma_wait3A, %dma_wait3A_183, %dma_wait3A_184] : memref<8x64x128xf32, #tpu.memory_space<vmem>> -> memref<1x64x128xf32, #tpu.memory_space<vmem>>
      %dma_wait3A_186 = tpu.memref_squeeze %dma_wait3A_185 : memref<1x64x128xf32, #tpu.memory_space<vmem>> -> memref<64x128xf32, #tpu.memory_space<vmem>>
      %dma_wait3A_187 = arith.constant 0 : i32
      %dma_wait3A_188 = tpu.memref_slice %arg3[%dma_wait3A_187, %mul3A_31] : memref<64x1000000xf32, #tpu.memory_space<hbm>> -> memref<64x128xf32, #tpu.memory_space<hbm>>
      tpu.wait_dma2 semaphore(%arg8 : memref<!tpu.dma_semaphore, #tpu.memory_space<semaphore_mem>>) src(%dma_wait3A_188 : memref<64x128xf32, #tpu.memory_space<hbm>>) dst(%dma_wait3A_186 : memref<64x128xf32, #tpu.memory_space<vmem>>)
      %slice3A_189 = vector.extract_strided_slice %get3A_28 {offsets = [0], sizes = [1], strides = [1]} : vector<16xi32> to vector<1xi32>
      %squeeze3A_190 = vector.extract %slice3A_189[0] : i32 from vector<1xi32>
      %rem3A = arith.constant 128 : i32
      %rem3A_191 = arith.remsi %squeeze3A_190, %rem3A : i32
      %broadcast_in_dim3A_192 = vector.broadcast %rem3A_191 : i32 to vector<16xi32>
      %broadcast_in_dim3A_193 = arith.constant 0 : i32
      %broadcast_in_dim3A_194 = vector.broadcast %broadcast_in_dim3A_193 : i32 to vector<16xi32>
      %gather3A = tpu.vector_load_idx %arg6[%broadcast_in_dim3A_194, %add3A_4, %broadcast_in_dim3A_192] : memref<8x64x128xf32, #tpu.memory_space<vmem>>[vector<16xi32>, vector<16xi32>, vector<16xi32>], vector<16xf32>,
      %add3A_195 = arith.addf %broadcast_in_dim3A_1, %gather3A : vector<16xf32>
      %gather3A_196 = tpu.vector_load_idx %arg6[%broadcast_in_dim3A_194, %add3A_8, %broadcast_in_dim3A_192] : memref<8x64x128xf32, #tpu.memory_space<vmem>>[vector<16xi32>, vector<16xi32>, vector<16xi32>], vector<16xf32>,
      %add3A_197 = arith.addf %broadcast_in_dim3A_1, %gather3A_196 : vector<16xf32>
      %gather3A_198 = tpu.vector_load_idx %arg6[%broadcast_in_dim3A_194, %add3A_12, %broadcast_in_dim3A_192] : memref<8x64x128xf32, #tpu.memory_space<vmem>>[vector<16xi32>, vector<16xi32>, vector<16xi32>], vector<16xf32>,
      %add3A_199 = arith.addf %broadcast_in_dim3A_1, %gather3A_198 : vector<16xf32>
      %gather3A_200 = tpu.vector_load_idx %arg6[%broadcast_in_dim3A_194, %add3A_16, %broadcast_in_dim3A_192] : memref<8x64x128xf32, #tpu.memory_space<vmem>>[vector<16xi32>, vector<16xi32>, vector<16xi32>], vector<16xf32>,
      %add3A_201 = arith.addf %broadcast_in_dim3A_1, %gather3A_200 : vector<16xf32>
      %dma_wait3A_202 = arith.constant 1 : i32
      %dma_wait3A_203 = arith.constant 0 : i32
      %dma_wait3A_204 = arith.constant 0 : i32
      %dma_wait3A_205 = tpu.memref_slice %arg6[%dma_wait3A_202, %dma_wait3A_203, %dma_wait3A_204] : memref<8x64x128xf32, #tpu.memory_space<vmem>> -> memref<1x64x128xf32, #tpu.memory_space<vmem>>
      %dma_wait3A_206 = tpu.memref_squeeze %dma_wait3A_205 : memref<1x64x128xf32, #tpu.memory_space<vmem>> -> memref<64x128xf32, #tpu.memory_space<vmem>>
      %dma_wait3A_207 = arith.constant 0 : i32
      %dma_wait3A_208 = tpu.memref_slice %arg3[%dma_wait3A_207, %mul3A_49] : memref<64x1000000xf32, #tpu.memory_space<hbm>> -> memref<64x128xf32, #tpu.memory_space<hbm>>
      %dma_wait3A_209 = arith.constant 0 : i32
      %dma_wait3A_210 = arith.constant 0 : i32
      %dma_wait3A_211 = tpu.memref_slice %arg6[%dma_wait3A_202, %dma_wait3A_209, %dma_wait3A_210] : memref<8x64x128xf32, #tpu.memory_space<vmem>> -> memref<1x64x128xf32, #tpu.memory_space<vmem>>
      %dma_wait3A_212 = tpu.memref_squeeze %dma_wait3A_211 : memref<1x64x128xf32, #tpu.memory_space<vmem>> -> memref<64x128xf32, #tpu.memory_space<vmem>>
      %dma_wait3A_213 = arith.constant 0 : i32
      %dma_wait3A_214 = tpu.memref_slice %arg3[%dma_wait3A_213, %mul3A_49] : memref<64x1000000xf32, #tpu.memory_space<hbm>> -> memref<64x128xf32, #tpu.memory_space<hbm>>
      tpu.wait_dma2 semaphore(%arg8 : memref<!tpu.dma_semaphore, #tpu.memory_space<semaphore_mem>>) src(%dma_wait3A_214 : memref<64x128xf32, #tpu.memory_space<hbm>>) dst(%dma_wait3A_212 : memref<64x128xf32, #tpu.memory_space<vmem>>)
      %slice3A_215 = vector.extract_strided_slice %get3A_28 {offsets = [1], sizes = [1], strides = [1]} : vector<16xi32> to vector<1xi32>
      %squeeze3A_216 = vector.extract %slice3A_215[0] : i32 from vector<1xi32>
      %rem3A_217 = arith.constant 128 : i32
      %rem3A_218 = arith.remsi %squeeze3A_216, %rem3A_217 : i32
      %broadcast_in_dim3A_219 = vector.broadcast %rem3A_218 : i32 to vector<16xi32>
      %broadcast_in_dim3A_220 = arith.constant 1 : i32
      %broadcast_in_dim3A_221 = vector.broadcast %broadcast_in_dim3A_220 : i32 to vector<16xi32>
      %gather3A_222 = tpu.vector_load_idx %arg6[%broadcast_in_dim3A_221, %add3A_4, %broadcast_in_dim3A_219] : memref<8x64x128xf32, #tpu.memory_space<vmem>>[vector<16xi32>, vector<16xi32>, vector<16xi32>], vector<16xf32>,
      %add3A_223 = arith.addf %add3A_195, %gather3A_222 : vector<16xf32>
      %gather3A_224 = tpu.vector_load_idx %arg6[%broadcast_in_dim3A_221, %add3A_8, %broadcast_in_dim3A_219] : memref<8x64x128xf32, #tpu.memory_space<vmem>>[vector<16xi32>, vector<16xi32>, vector<16xi32>], vector<16xf32>,
      %add3A_225 = arith.addf %add3A_197, %gather3A_224 : vector<16xf32>
      %gather3A_226 = tpu.vector_load_idx %arg6[%broadcast_in_dim3A_221, %add3A_12, %broadcast_in_dim3A_219] : memref<8x64x128xf32, #tpu.memory_space<vmem>>[vector<16xi32>, vector<16xi32>, vector<16xi32>], vector<16xf32>,
      %add3A_227 = arith.addf %add3A_199, %gather3A_226 : vector<16xf32>
      %gather3A_228 = tpu.vector_load_idx %arg6[%broadcast_in_dim3A_221, %add3A_16, %broadcast_in_dim3A_219] : memref<8x64x128xf32, #tpu.memory_space<vmem>>[vector<16xi32>, vector<16xi32>, vector<16xi32>], vector<16xf32>,
      %add3A_229 = arith.addf %add3A_201, %gather3A_228 : vector<16xf32>
      %dma_wait3A_230 = arith.constant 2 : i32
      %dma_wait3A_231 = arith.constant 0 : i32
      %dma_wait3A_232 = arith.constant 0 : i32
      %dma_wait3A_233 = tpu.memref_slice %arg6[%dma_wait3A_230, %dma_wait3A_231, %dma_wait3A_232] : memref<8x64x128xf32, #tpu.memory_space<vmem>> -> memref<1x64x128xf32, #tpu.memory_space<vmem>>
      %dma_wait3A_234 = tpu.memref_squeeze %dma_wait3A_233 : memref<1x64x128xf32, #tpu.memory_space<vmem>> -> memref<64x128xf32, #tpu.memory_space<vmem>>
      %dma_wait3A_235 = arith.constant 0 : i32
      %dma_wait3A_236 = tpu.memref_slice %arg3[%dma_wait3A_235, %mul3A_68] : memref<64x1000000xf32, #tpu.memory_space<hbm>> -> memref<64x128xf32, #tpu.memory_space<hbm>>
      %dma_wait3A_237 = arith.constant 0 : i32
      %dma_wait3A_238 = arith.constant 0 : i32
      %dma_wait3A_239 = tpu.memref_slice %arg6[%dma_wait3A_230, %dma_wait3A_237, %dma_wait3A_238] : memref<8x64x128xf32, #tpu.memory_space<vmem>> -> memref<1x64x128xf32, #tpu.memory_space<vmem>>
      %dma_wait3A_240 = tpu.memref_squeeze %dma_wait3A_239 : memref<1x64x128xf32, #tpu.memory_space<vmem>> -> memref<64x128xf32, #tpu.memory_space<vmem>>
      %dma_wait3A_241 = arith.constant 0 : i32
      %dma_wait3A_242 = tpu.memref_slice %arg3[%dma_wait3A_241, %mul3A_68] : memref<64x1000000xf32, #tpu.memory_space<hbm>> -> memref<64x128xf32, #tpu.memory_space<hbm>>
      tpu.wait_dma2 semaphore(%arg8 : memref<!tpu.dma_semaphore, #tpu.memory_space<semaphore_mem>>) src(%dma_wait3A_242 : memref<64x128xf32, #tpu.memory_space<hbm>>) dst(%dma_wait3A_240 : memref<64x128xf32, #tpu.memory_space<vmem>>)
      %slice3A_243 = vector.extract_strided_slice %get3A_28 {offsets = [2], sizes = [1], strides = [1]} : vector<16xi32> to vector<1xi32>
      %squeeze3A_244 = vector.extract %slice3A_243[0] : i32 from vector<1xi32>
      %rem3A_245 = arith.constant 128 : i32
      %rem3A_246 = arith.remsi %squeeze3A_244, %rem3A_245 : i32
      %broadcast_in_dim3A_247 = vector.broadcast %rem3A_246 : i32 to vector<16xi32>
      %broadcast_in_dim3A_248 = arith.constant 2 : i32
      %broadcast_in_dim3A_249 = vector.broadcast %broadcast_in_dim3A_248 : i32 to vector<16xi32>
      %gather3A_250 = tpu.vector_load_idx %arg6[%broadcast_in_dim3A_249, %add3A_4, %broadcast_in_dim3A_247] : memref<8x64x128xf32, #tpu.memory_space<vmem>>[vector<16xi32>, vector<16xi32>, vector<16xi32>], vector<16xf32>,
      %add3A_251 = arith.addf %add3A_223, %gather3A_250 : vector<16xf32>
      %gather3A_252 = tpu.vector_load_idx %arg6[%broadcast_in_dim3A_249, %add3A_8, %broadcast_in_dim3A_247] : memref<8x64x128xf32, #tpu.memory_space<vmem>>[vector<16xi32>, vector<16xi32>, vector<16xi32>], vector<16xf32>,
      %add3A_253 = arith.addf %add3A_225, %gather3A_252 : vector<16xf32>
      %gather3A_254 = tpu.vector_load_idx %arg6[%broadcast_in_dim3A_249, %add3A_12, %broadcast_in_dim3A_247] : memref<8x64x128xf32, #tpu.memory_space<vmem>>[vector<16xi32>, vector<16xi32>, vector<16xi32>], vector<16xf32>,
      %add3A_255 = arith.addf %add3A_227, %gather3A_254 : vector<16xf32>
      %gather3A_256 = tpu.vector_load_idx %arg6[%broadcast_in_dim3A_249, %add3A_16, %broadcast_in_dim3A_247] : memref<8x64x128xf32, #tpu.memory_space<vmem>>[vector<16xi32>, vector<16xi32>, vector<16xi32>], vector<16xf32>,
      %add3A_257 = arith.addf %add3A_229, %gather3A_256 : vector<16xf32>
      %dma_wait3A_258 = arith.constant 3 : i32
      %dma_wait3A_259 = arith.constant 0 : i32
      %dma_wait3A_260 = arith.constant 0 : i32
      %dma_wait3A_261 = tpu.memref_slice %arg6[%dma_wait3A_258, %dma_wait3A_259, %dma_wait3A_260] : memref<8x64x128xf32, #tpu.memory_space<vmem>> -> memref<1x64x128xf32, #tpu.memory_space<vmem>>
      %dma_wait3A_262 = tpu.memref_squeeze %dma_wait3A_261 : memref<1x64x128xf32, #tpu.memory_space<vmem>> -> memref<64x128xf32, #tpu.memory_space<vmem>>
      %dma_wait3A_263 = arith.constant 0 : i32
      %dma_wait3A_264 = tpu.memref_slice %arg3[%dma_wait3A_263, %mul3A_87] : memref<64x1000000xf32, #tpu.memory_space<hbm>> -> memref<64x128xf32, #tpu.memory_space<hbm>>
      %dma_wait3A_265 = arith.constant 0 : i32
      %dma_wait3A_266 = arith.constant 0 : i32
      %dma_wait3A_267 = tpu.memref_slice %arg6[%dma_wait3A_258, %dma_wait3A_265, %dma_wait3A_266] : memref<8x64x128xf32, #tpu.memory_space<vmem>> -> memref<1x64x128xf32, #tpu.memory_space<vmem>>
      %dma_wait3A_268 = tpu.memref_squeeze %dma_wait3A_267 : memref<1x64x128xf32, #tpu.memory_space<vmem>> -> memref<64x128xf32, #tpu.memory_space<vmem>>
      %dma_wait3A_269 = arith.constant 0 : i32
      %dma_wait3A_270 = tpu.memref_slice %arg3[%dma_wait3A_269, %mul3A_87] : memref<64x1000000xf32, #tpu.memory_space<hbm>> -> memref<64x128xf32, #tpu.memory_space<hbm>>
      tpu.wait_dma2 semaphore(%arg8 : memref<!tpu.dma_semaphore, #tpu.memory_space<semaphore_mem>>) src(%dma_wait3A_270 : memref<64x128xf32, #tpu.memory_space<hbm>>) dst(%dma_wait3A_268 : memref<64x128xf32, #tpu.memory_space<vmem>>)
      %slice3A_271 = vector.extract_strided_slice %get3A_28 {offsets = [3], sizes = [1], strides = [1]} : vector<16xi32> to vector<1xi32>
      %squeeze3A_272 = vector.extract %slice3A_271[0] : i32 from vector<1xi32>
      %rem3A_273 = arith.constant 128 : i32
      %rem3A_274 = arith.remsi %squeeze3A_272, %rem3A_273 : i32
      %broadcast_in_dim3A_275 = vector.broadcast %rem3A_274 : i32 to vector<16xi32>
      %broadcast_in_dim3A_276 = arith.constant 3 : i32
      %broadcast_in_dim3A_277 = vector.broadcast %broadcast_in_dim3A_276 : i32 to vector<16xi32>
      %gather3A_278 = tpu.vector_load_idx %arg6[%broadcast_in_dim3A_277, %add3A_4, %broadcast_in_dim3A_275] : memref<8x64x128xf32, #tpu.memory_space<vmem>>[vector<16xi32>, vector<16xi32>, vector<16xi32>], vector<16xf32>,
      %add3A_279 = arith.addf %add3A_251, %gather3A_278 : vector<16xf32>
      %gather3A_280 = tpu.vector_load_idx %arg6[%broadcast_in_dim3A_277, %add3A_8, %broadcast_in_dim3A_275] : memref<8x64x128xf32, #tpu.memory_space<vmem>>[vector<16xi32>, vector<16xi32>, vector<16xi32>], vector<16xf32>,
      %add3A_281 = arith.addf %add3A_253, %gather3A_280 : vector<16xf32>
      %gather3A_282 = tpu.vector_load_idx %arg6[%broadcast_in_dim3A_277, %add3A_12, %broadcast_in_dim3A_275] : memref<8x64x128xf32, #tpu.memory_space<vmem>>[vector<16xi32>, vector<16xi32>, vector<16xi32>], vector<16xf32>,
      %add3A_283 = arith.addf %add3A_255, %gather3A_282 : vector<16xf32>
      %gather3A_284 = tpu.vector_load_idx %arg6[%broadcast_in_dim3A_277, %add3A_16, %broadcast_in_dim3A_275] : memref<8x64x128xf32, #tpu.memory_space<vmem>>[vector<16xi32>, vector<16xi32>, vector<16xi32>], vector<16xf32>,
      %add3A_285 = arith.addf %add3A_257, %gather3A_284 : vector<16xf32>
      %dma_wait3A_286 = arith.constant 4 : i32
      %dma_wait3A_287 = arith.constant 0 : i32
      %dma_wait3A_288 = arith.constant 0 : i32
      %dma_wait3A_289 = tpu.memref_slice %arg6[%dma_wait3A_286, %dma_wait3A_287, %dma_wait3A_288] : memref<8x64x128xf32, #tpu.memory_space<vmem>> -> memref<1x64x128xf32, #tpu.memory_space<vmem>>
      %dma_wait3A_290 = tpu.memref_squeeze %dma_wait3A_289 : memref<1x64x128xf32, #tpu.memory_space<vmem>> -> memref<64x128xf32, #tpu.memory_space<vmem>>
      %dma_wait3A_291 = arith.constant 0 : i32
      %dma_wait3A_292 = tpu.memref_slice %arg3[%dma_wait3A_291, %mul3A_106] : memref<64x1000000xf32, #tpu.memory_space<hbm>> -> memref<64x128xf32, #tpu.memory_space<hbm>>
      %dma_wait3A_293 = arith.constant 0 : i32
      %dma_wait3A_294 = arith.constant 0 : i32
      %dma_wait3A_295 = tpu.memref_slice %arg6[%dma_wait3A_286, %dma_wait3A_293, %dma_wait3A_294] : memref<8x64x128xf32, #tpu.memory_space<vmem>> -> memref<1x64x128xf32, #tpu.memory_space<vmem>>
      %dma_wait3A_296 = tpu.memref_squeeze %dma_wait3A_295 : memref<1x64x128xf32, #tpu.memory_space<vmem>> -> memref<64x128xf32, #tpu.memory_space<vmem>>
      %dma_wait3A_297 = arith.constant 0 : i32
      %dma_wait3A_298 = tpu.memref_slice %arg3[%dma_wait3A_297, %mul3A_106] : memref<64x1000000xf32, #tpu.memory_space<hbm>> -> memref<64x128xf32, #tpu.memory_space<hbm>>
      tpu.wait_dma2 semaphore(%arg8 : memref<!tpu.dma_semaphore, #tpu.memory_space<semaphore_mem>>) src(%dma_wait3A_298 : memref<64x128xf32, #tpu.memory_space<hbm>>) dst(%dma_wait3A_296 : memref<64x128xf32, #tpu.memory_space<vmem>>)
      %slice3A_299 = vector.extract_strided_slice %get3A_28 {offsets = [4], sizes = [1], strides = [1]} : vector<16xi32> to vector<1xi32>
      %squeeze3A_300 = vector.extract %slice3A_299[0] : i32 from vector<1xi32>
      %rem3A_301 = arith.constant 128 : i32
      %rem3A_302 = arith.remsi %squeeze3A_300, %rem3A_301 : i32
      %broadcast_in_dim3A_303 = vector.broadcast %rem3A_302 : i32 to vector<16xi32>
      %broadcast_in_dim3A_304 = arith.constant 4 : i32
      %broadcast_in_dim3A_305 = vector.broadcast %broadcast_in_dim3A_304 : i32 to vector<16xi32>
      %gather3A_306 = tpu.vector_load_idx %arg6[%broadcast_in_dim3A_305, %add3A_4, %broadcast_in_dim3A_303] : memref<8x64x128xf32, #tpu.memory_space<vmem>>[vector<16xi32>, vector<16xi32>, vector<16xi32>], vector<16xf32>,
      %add3A_307 = arith.addf %add3A_279, %gather3A_306 : vector<16xf32>
      %gather3A_308 = tpu.vector_load_idx %arg6[%broadcast_in_dim3A_305, %add3A_8, %broadcast_in_dim3A_303] : memref<8x64x128xf32, #tpu.memory_space<vmem>>[vector<16xi32>, vector<16xi32>, vector<16xi32>], vector<16xf32>,
      %add3A_309 = arith.addf %add3A_281, %gather3A_308 : vector<16xf32>
      %gather3A_310 = tpu.vector_load_idx %arg6[%broadcast_in_dim3A_305, %add3A_12, %broadcast_in_dim3A_303] : memref<8x64x128xf32, #tpu.memory_space<vmem>>[vector<16xi32>, vector<16xi32>, vector<16xi32>], vector<16xf32>,
      %add3A_311 = arith.addf %add3A_283, %gather3A_310 : vector<16xf32>
      %gather3A_312 = tpu.vector_load_idx %arg6[%broadcast_in_dim3A_305, %add3A_16, %broadcast_in_dim3A_303] : memref<8x64x128xf32, #tpu.memory_space<vmem>>[vector<16xi32>, vector<16xi32>, vector<16xi32>], vector<16xf32>,
      %add3A_313 = arith.addf %add3A_285, %gather3A_312 : vector<16xf32>
      %dma_wait3A_314 = arith.constant 5 : i32
      %dma_wait3A_315 = arith.constant 0 : i32
      %dma_wait3A_316 = arith.constant 0 : i32
      %dma_wait3A_317 = tpu.memref_slice %arg6[%dma_wait3A_314, %dma_wait3A_315, %dma_wait3A_316] : memref<8x64x128xf32, #tpu.memory_space<vmem>> -> memref<1x64x128xf32, #tpu.memory_space<vmem>>
      %dma_wait3A_318 = tpu.memref_squeeze %dma_wait3A_317 : memref<1x64x128xf32, #tpu.memory_space<vmem>> -> memref<64x128xf32, #tpu.memory_space<vmem>>
      %dma_wait3A_319 = arith.constant 0 : i32
      %dma_wait3A_320 = tpu.memref_slice %arg3[%dma_wait3A_319, %mul3A_125] : memref<64x1000000xf32, #tpu.memory_space<hbm>> -> memref<64x128xf32, #tpu.memory_space<hbm>>
      %dma_wait3A_321 = arith.constant 0 : i32
      %dma_wait3A_322 = arith.constant 0 : i32
      %dma_wait3A_323 = tpu.memref_slice %arg6[%dma_wait3A_314, %dma_wait3A_321, %dma_wait3A_322] : memref<8x64x128xf32, #tpu.memory_space<vmem>> -> memref<1x64x128xf32, #tpu.memory_space<vmem>>
      %dma_wait3A_324 = tpu.memref_squeeze %dma_wait3A_323 : memref<1x64x128xf32, #tpu.memory_space<vmem>> -> memref<64x128xf32, #tpu.memory_space<vmem>>
      %dma_wait3A_325 = arith.constant 0 : i32
      %dma_wait3A_326 = tpu.memref_slice %arg3[%dma_wait3A_325, %mul3A_125] : memref<64x1000000xf32, #tpu.memory_space<hbm>> -> memref<64x128xf32, #tpu.memory_space<hbm>>
      tpu.wait_dma2 semaphore(%arg8 : memref<!tpu.dma_semaphore, #tpu.memory_space<semaphore_mem>>) src(%dma_wait3A_326 : memref<64x128xf32, #tpu.memory_space<hbm>>) dst(%dma_wait3A_324 : memref<64x128xf32, #tpu.memory_space<vmem>>)
      %slice3A_327 = vector.extract_strided_slice %get3A_28 {offsets = [5], sizes = [1], strides = [1]} : vector<16xi32> to vector<1xi32>
      %squeeze3A_328 = vector.extract %slice3A_327[0] : i32 from vector<1xi32>
      %rem3A_329 = arith.constant 128 : i32
      %rem3A_330 = arith.remsi %squeeze3A_328, %rem3A_329 : i32
      %broadcast_in_dim3A_331 = vector.broadcast %rem3A_330 : i32 to vector<16xi32>
      %broadcast_in_dim3A_332 = arith.constant 5 : i32
      %broadcast_in_dim3A_333 = vector.broadcast %broadcast_in_dim3A_332 : i32 to vector<16xi32>
      %gather3A_334 = tpu.vector_load_idx %arg6[%broadcast_in_dim3A_333, %add3A_4, %broadcast_in_dim3A_331] : memref<8x64x128xf32, #tpu.memory_space<vmem>>[vector<16xi32>, vector<16xi32>, vector<16xi32>], vector<16xf32>,
      %add3A_335 = arith.addf %add3A_307, %gather3A_334 : vector<16xf32>
      %gather3A_336 = tpu.vector_load_idx %arg6[%broadcast_in_dim3A_333, %add3A_8, %broadcast_in_dim3A_331] : memref<8x64x128xf32, #tpu.memory_space<vmem>>[vector<16xi32>, vector<16xi32>, vector<16xi32>], vector<16xf32>,
      %add3A_337 = arith.addf %add3A_309, %gather3A_336 : vector<16xf32>
      %gather3A_338 = tpu.vector_load_idx %arg6[%broadcast_in_dim3A_333, %add3A_12, %broadcast_in_dim3A_331] : memref<8x64x128xf32, #tpu.memory_space<vmem>>[vector<16xi32>, vector<16xi32>, vector<16xi32>], vector<16xf32>,
      %add3A_339 = arith.addf %add3A_311, %gather3A_338 : vector<16xf32>
      %gather3A_340 = tpu.vector_load_idx %arg6[%broadcast_in_dim3A_333, %add3A_16, %broadcast_in_dim3A_331] : memref<8x64x128xf32, #tpu.memory_space<vmem>>[vector<16xi32>, vector<16xi32>, vector<16xi32>], vector<16xf32>,
      %add3A_341 = arith.addf %add3A_313, %gather3A_340 : vector<16xf32>
      %dma_wait3A_342 = arith.constant 6 : i32
      %dma_wait3A_343 = arith.constant 0 : i32
      %dma_wait3A_344 = arith.constant 0 : i32
      %dma_wait3A_345 = tpu.memref_slice %arg6[%dma_wait3A_342, %dma_wait3A_343, %dma_wait3A_344] : memref<8x64x128xf32, #tpu.memory_space<vmem>> -> memref<1x64x128xf32, #tpu.memory_space<vmem>>
      %dma_wait3A_346 = tpu.memref_squeeze %dma_wait3A_345 : memref<1x64x128xf32, #tpu.memory_space<vmem>> -> memref<64x128xf32, #tpu.memory_space<vmem>>
      %dma_wait3A_347 = arith.constant 0 : i32
      %dma_wait3A_348 = tpu.memref_slice %arg3[%dma_wait3A_347, %mul3A_144] : memref<64x1000000xf32, #tpu.memory_space<hbm>> -> memref<64x128xf32, #tpu.memory_space<hbm>>
      %dma_wait3A_349 = arith.constant 0 : i32
      %dma_wait3A_350 = arith.constant 0 : i32
      %dma_wait3A_351 = tpu.memref_slice %arg6[%dma_wait3A_342, %dma_wait3A_349, %dma_wait3A_350] : memref<8x64x128xf32, #tpu.memory_space<vmem>> -> memref<1x64x128xf32, #tpu.memory_space<vmem>>
      %dma_wait3A_352 = tpu.memref_squeeze %dma_wait3A_351 : memref<1x64x128xf32, #tpu.memory_space<vmem>> -> memref<64x128xf32, #tpu.memory_space<vmem>>
      %dma_wait3A_353 = arith.constant 0 : i32
      %dma_wait3A_354 = tpu.memref_slice %arg3[%dma_wait3A_353, %mul3A_144] : memref<64x1000000xf32, #tpu.memory_space<hbm>> -> memref<64x128xf32, #tpu.memory_space<hbm>>
      tpu.wait_dma2 semaphore(%arg8 : memref<!tpu.dma_semaphore, #tpu.memory_space<semaphore_mem>>) src(%dma_wait3A_354 : memref<64x128xf32, #tpu.memory_space<hbm>>) dst(%dma_wait3A_352 : memref<64x128xf32, #tpu.memory_space<vmem>>)
      %slice3A_355 = vector.extract_strided_slice %get3A_28 {offsets = [6], sizes = [1], strides = [1]} : vector<16xi32> to vector<1xi32>
      %squeeze3A_356 = vector.extract %slice3A_355[0] : i32 from vector<1xi32>
      %rem3A_357 = arith.constant 128 : i32
      %rem3A_358 = arith.remsi %squeeze3A_356, %rem3A_357 : i32
      %broadcast_in_dim3A_359 = vector.broadcast %rem3A_358 : i32 to vector<16xi32>
      %broadcast_in_dim3A_360 = arith.constant 6 : i32
      %broadcast_in_dim3A_361 = vector.broadcast %broadcast_in_dim3A_360 : i32 to vector<16xi32>
      %gather3A_362 = tpu.vector_load_idx %arg6[%broadcast_in_dim3A_361, %add3A_4, %broadcast_in_dim3A_359] : memref<8x64x128xf32, #tpu.memory_space<vmem>>[vector<16xi32>, vector<16xi32>, vector<16xi32>], vector<16xf32>,
      %add3A_363 = arith.addf %add3A_335, %gather3A_362 : vector<16xf32>
      %gather3A_364 = tpu.vector_load_idx %arg6[%broadcast_in_dim3A_361, %add3A_8, %broadcast_in_dim3A_359] : memref<8x64x128xf32, #tpu.memory_space<vmem>>[vector<16xi32>, vector<16xi32>, vector<16xi32>], vector<16xf32>,
      %add3A_365 = arith.addf %add3A_337, %gather3A_364 : vector<16xf32>
      %gather3A_366 = tpu.vector_load_idx %arg6[%broadcast_in_dim3A_361, %add3A_12, %broadcast_in_dim3A_359] : memref<8x64x128xf32, #tpu.memory_space<vmem>>[vector<16xi32>, vector<16xi32>, vector<16xi32>], vector<16xf32>,
      %add3A_367 = arith.addf %add3A_339, %gather3A_366 : vector<16xf32>
      %gather3A_368 = tpu.vector_load_idx %arg6[%broadcast_in_dim3A_361, %add3A_16, %broadcast_in_dim3A_359] : memref<8x64x128xf32, #tpu.memory_space<vmem>>[vector<16xi32>, vector<16xi32>, vector<16xi32>], vector<16xf32>,
      %add3A_369 = arith.addf %add3A_341, %gather3A_368 : vector<16xf32>
      %dma_wait3A_370 = arith.constant 7 : i32
      %dma_wait3A_371 = arith.constant 0 : i32
      %dma_wait3A_372 = arith.constant 0 : i32
      %dma_wait3A_373 = tpu.memref_slice %arg6[%dma_wait3A_370, %dma_wait3A_371, %dma_wait3A_372] : memref<8x64x128xf32, #tpu.memory_space<vmem>> -> memref<1x64x128xf32, #tpu.memory_space<vmem>>
      %dma_wait3A_374 = tpu.memref_squeeze %dma_wait3A_373 : memref<1x64x128xf32, #tpu.memory_space<vmem>> -> memref<64x128xf32, #tpu.memory_space<vmem>>
      %dma_wait3A_375 = arith.constant 0 : i32
      %dma_wait3A_376 = tpu.memref_slice %arg3[%dma_wait3A_375, %mul3A_163] : memref<64x1000000xf32, #tpu.memory_space<hbm>> -> memref<64x128xf32, #tpu.memory_space<hbm>>
      %dma_wait3A_377 = arith.constant 0 : i32
      %dma_wait3A_378 = arith.constant 0 : i32
      %dma_wait3A_379 = tpu.memref_slice %arg6[%dma_wait3A_370, %dma_wait3A_377, %dma_wait3A_378] : memref<8x64x128xf32, #tpu.memory_space<vmem>> -> memref<1x64x128xf32, #tpu.memory_space<vmem>>
      %dma_wait3A_380 = tpu.memref_squeeze %dma_wait3A_379 : memref<1x64x128xf32, #tpu.memory_space<vmem>> -> memref<64x128xf32, #tpu.memory_space<vmem>>
      %dma_wait3A_381 = arith.constant 0 : i32
      %dma_wait3A_382 = tpu.memref_slice %arg3[%dma_wait3A_381, %mul3A_163] : memref<64x1000000xf32, #tpu.memory_space<hbm>> -> memref<64x128xf32, #tpu.memory_space<hbm>>
      tpu.wait_dma2 semaphore(%arg8 : memref<!tpu.dma_semaphore, #tpu.memory_space<semaphore_mem>>) src(%dma_wait3A_382 : memref<64x128xf32, #tpu.memory_space<hbm>>) dst(%dma_wait3A_380 : memref<64x128xf32, #tpu.memory_space<vmem>>)
      %slice3A_383 = vector.extract_strided_slice %get3A_28 {offsets = [7], sizes = [1], strides = [1]} : vector<16xi32> to vector<1xi32>
      %squeeze3A_384 = vector.extract %slice3A_383[0] : i32 from vector<1xi32>
      %rem3A_385 = arith.constant 128 : i32
      %rem3A_386 = arith.remsi %squeeze3A_384, %rem3A_385 : i32
      %broadcast_in_dim3A_387 = vector.broadcast %rem3A_386 : i32 to vector<16xi32>
      %broadcast_in_dim3A_388 = arith.constant 7 : i32
      %broadcast_in_dim3A_389 = vector.broadcast %broadcast_in_dim3A_388 : i32 to vector<16xi32>
      %gather3A_390 = tpu.vector_load_idx %arg6[%broadcast_in_dim3A_389, %add3A_4, %broadcast_in_dim3A_387] : memref<8x64x128xf32, #tpu.memory_space<vmem>>[vector<16xi32>, vector<16xi32>, vector<16xi32>], vector<16xf32>,
      %add3A_391 = arith.addf %add3A_363, %gather3A_390 : vector<16xf32>
      %gather3A_392 = tpu.vector_load_idx %arg6[%broadcast_in_dim3A_389, %add3A_8, %broadcast_in_dim3A_387] : memref<8x64x128xf32, #tpu.memory_space<vmem>>[vector<16xi32>, vector<16xi32>, vector<16xi32>], vector<16xf32>,
      %add3A_393 = arith.addf %add3A_365, %gather3A_392 : vector<16xf32>
      %gather3A_394 = tpu.vector_load_idx %arg6[%broadcast_in_dim3A_389, %add3A_12, %broadcast_in_dim3A_387] : memref<8x64x128xf32, #tpu.memory_space<vmem>>[vector<16xi32>, vector<16xi32>, vector<16xi32>], vector<16xf32>,
      %add3A_395 = arith.addf %add3A_367, %gather3A_394 : vector<16xf32>
      %gather3A_396 = tpu.vector_load_idx %arg6[%broadcast_in_dim3A_389, %add3A_16, %broadcast_in_dim3A_387] : memref<8x64x128xf32, #tpu.memory_space<vmem>>[vector<16xi32>, vector<16xi32>, vector<16xi32>], vector<16xf32>,
      %add3A_397 = arith.addf %add3A_369, %gather3A_396 : vector<16xf32>
      %swap3A_398 = arith.constant 0 : index
      %swap3A_399 = tpu.vector_load %arg7[%swap3A_398] {strides = array<i32>} : memref<64xf32, #tpu.memory_space<vmem>>, vector<16xf32>,
      tpu.vector_store %arg7[%swap3A_398], %add3A_391 {strides = array<i32>} : memref<64xf32, #tpu.memory_space<vmem>>, vector<16xf32>,
      %swap3A_400 = arith.constant 16 : index
      %swap3A_401 = tpu.vector_load %arg7[%swap3A_400] {strides = array<i32>} : memref<64xf32, #tpu.memory_space<vmem>>, vector<16xf32>,
      tpu.vector_store %arg7[%swap3A_400], %add3A_393 {strides = array<i32>} : memref<64xf32, #tpu.memory_space<vmem>>, vector<16xf32>,
      %swap3A_402 = arith.constant 32 : index
      %swap3A_403 = tpu.vector_load %arg7[%swap3A_402] {strides = array<i32>} : memref<64xf32, #tpu.memory_space<vmem>>, vector<16xf32>,
      tpu.vector_store %arg7[%swap3A_402], %add3A_395 {strides = array<i32>} : memref<64xf32, #tpu.memory_space<vmem>>, vector<16xf32>,
      %swap3A_404 = arith.constant 48 : index
      %swap3A_405 = tpu.vector_load %arg7[%swap3A_404] {strides = array<i32>} : memref<64xf32, #tpu.memory_space<vmem>>, vector<16xf32>,
      tpu.vector_store %arg7[%swap3A_404], %add3A_397 {strides = array<i32>} : memref<64xf32, #tpu.memory_space<vmem>>, vector<16xf32>,
    } else {
    }
    "tpu.region"() ({
      %run_scoped3A = tpu.sem_alloc : memref<!tpu.dma_semaphore, #tpu.memory_space<semaphore_mem>>
      %dma_start3A = arith.constant 0 : i32
      %dma_start3A_26 = tpu.memref_slice %arg4[%add3A, %dma_start3A] : memref<32x64xf32, #tpu.memory_space<hbm>> -> memref<1x64xf32, #tpu.memory_space<hbm>>
      %dma_start3A_27 = tpu.memref_squeeze %dma_start3A_26 : memref<1x64xf32, #tpu.memory_space<hbm>> -> memref<64xf32, #tpu.memory_space<hbm>>
      %dma_start3A_28 = arith.constant 0 : i32
      %dma_start3A_29 = tpu.memref_slice %arg4[%add3A, %dma_start3A_28] : memref<32x64xf32, #tpu.memory_space<hbm>> -> memref<1x64xf32, #tpu.memory_space<hbm>>
      %dma_start3A_30 = tpu.memref_squeeze %dma_start3A_29 : memref<1x64xf32, #tpu.memory_space<hbm>> -> memref<64xf32, #tpu.memory_space<hbm>>
      tpu.enqueue_dma source(%arg7 : memref<64xf32, #tpu.memory_space<vmem>>) target(%dma_start3A_30 : memref<64xf32, #tpu.memory_space<hbm>>) target_semaphore(%run_scoped3A : memref<!tpu.dma_semaphore, #tpu.memory_space<semaphore_mem>>)
      %dma_wait3A = arith.constant 0 : i32
      %dma_wait3A_31 = tpu.memref_slice %arg4[%add3A, %dma_wait3A] : memref<32x64xf32, #tpu.memory_space<hbm>> -> memref<1x64xf32, #tpu.memory_space<hbm>>
      %dma_wait3A_32 = tpu.memref_squeeze %dma_wait3A_31 : memref<1x64xf32, #tpu.memory_space<hbm>> -> memref<64xf32, #tpu.memory_space<hbm>>
      %dma_wait3A_33 = arith.constant 0 : i32
      %dma_wait3A_34 = tpu.memref_slice %arg4[%add3A, %dma_wait3A_33] : memref<32x64xf32, #tpu.memory_space<hbm>> -> memref<1x64xf32, #tpu.memory_space<hbm>>
      %dma_wait3A_35 = tpu.memref_squeeze %dma_wait3A_34 : memref<1x64xf32, #tpu.memory_space<hbm>> -> memref<64xf32, #tpu.memory_space<hbm>>
      tpu.wait_dma2 semaphore(%run_scoped3A : memref<!tpu.dma_semaphore, #tpu.memory_space<semaphore_mem>>) src(%arg7 : memref<64xf32, #tpu.memory_space<vmem>>) dst(%dma_wait3A_35 : memref<64xf32, #tpu.memory_space<hbm>>)
      tpu.yield
    }) : () -> ()
    return
  }
}

module attributes {stable_mosaic.version = 14 : i64} {
  func.func @_proj_body(%arg0: i32, %arg1: memref<32x64xf32, #tpu.memory_space<vmem>>, %arg2: memref<64x32768xf32, #tpu.memory_space<vmem>>, %arg3: memref<32768xf32, #tpu.memory_space<vmem>>, %arg4: memref<1x1000000xf32, #tpu.memory_space<vmem>>, %arg5: memref<1xf32, #tpu.memory_space<smem>>, %arg6: memref<1xf32, #tpu.memory_space<smem>>) attributes {dimension_semantics = [#tpu.dimension_semantics<arbitrary>], iteration_bounds = array<i64: 31>, scalar_prefetch = 0 : i64, scratch_operands = 2 : i64, tpu.core_type = #tpu.core_type<tc>, window_params = [{pipeline_mode = #tpu.pipeline_mode<synchronous>, transform_indices = @transform_0, window_bounds = array<i64: 32, 64>}, {transform_indices = @transform_1, window_bounds = array<i64: 64, 32768>}, {transform_indices = @transform_2, window_bounds = array<i64: 32768>}, {pipeline_mode = #tpu.pipeline_mode<synchronous>, transform_indices = @transform_3, window_bounds = array<i64: 1, 1000000>}]} {
    %eq3A = arith.constant 0 : i32
    %eq3A_0 = arith.cmpi eq, %arg0, %eq3A : i32
    %convert_element_type3A = arith.extui %eq3A_0 : i1 to i32
    %cond3A = arith.constant 0 : i32
    %cond3A_1 = arith.cmpi ne, %convert_element_type3A, %cond3A : i32
    scf.if %cond3A_1 {
      %swap3A_48 = arith.constant 0xFF800000 : f32
      %swap3A_49 = arith.constant 0 : index
      %swap3A_50 = memref.load %arg5[%swap3A_49] : memref<1xf32, #tpu.memory_space<smem>>
      memref.store %swap3A_48, %arg5[%swap3A_49] : memref<1xf32, #tpu.memory_space<smem>>
      %swap3A_51 = arith.constant 0.000000e+00 : f32
      %swap3A_52 = arith.constant 0 : index
      %swap3A_53 = memref.load %arg6[%swap3A_52] : memref<1xf32, #tpu.memory_space<smem>>
      memref.store %swap3A_51, %arg6[%swap3A_52] : memref<1xf32, #tpu.memory_space<smem>>
    } else {
    }
    %get3A = arith.constant 0 : index
    %get3A_2 = arith.constant 0 : index
    %get3A_3 = vector.load %arg1[%get3A, %get3A_2] : memref<32x64xf32, #tpu.memory_space<vmem>>, vector<32x64xf32>
    %reduce_sum3A = arith.constant dense<0.000000e+00> : vector<64xf32>
    %reduce_sum3A_4 = vector.multi_reduction <add>, %get3A_3, %reduce_sum3A [0] : vector<32x64xf32> to vector<64xf32>
    %broadcast_in_dim3A = vector.shape_cast %reduce_sum3A_4 : vector<64xf32> to vector<1x64xf32>
    %get3A_5 = arith.constant 0 : index
    %get3A_6 = arith.constant 0 : index
    %get3A_7 = vector.load %arg2[%get3A_5, %get3A_6] : memref<64x32768xf32, #tpu.memory_space<vmem>>, vector<64x32768xf32>
    %dot_general3A = arith.constant dense<0.000000e+00> : vector<1x32768xf32>
    %dot_general3A_8 = tpu.matmul %broadcast_in_dim3A, %get3A_7, %dot_general3A {dimension_numbers = #tpu.dot_dimension_numbers<[1], [0], [0], [1], [0, 0, 1, 1], [], []>, transpose_lhs_hint = false} : vector<1x64xf32>, vector<64x32768xf32>, vector<1x32768xf32> -> vector<1x32768xf32>
    %get3A_9 = arith.constant 0 : index
    %get3A_10 = vector.load %arg3[%get3A_9] : memref<32768xf32, #tpu.memory_space<vmem>>, vector<32768xf32>
    %reshape3A = vector.shape_cast %get3A_10 : vector<32768xf32> to vector<1x32768xf32>
    %add3A = arith.addf %dot_general3A_8, %reshape3A : vector<1x32768xf32>
    %mul3A = arith.constant 32768 : i32
    %mul3A_11 = arith.muli %arg0, %mul3A : i32
    %iota3A = tpu.iota {dimensions = array<i32: 1>} : vector<1x32768xi32>
    %add3A_12 = vector.broadcast %mul3A_11 : i32 to vector<1x32768xi32>
    %add3A_13 = arith.addi %add3A_12, %iota3A : vector<1x32768xi32>
    %lt3A = arith.constant 1000000 : i32
    %lt3A_14 = vector.broadcast %lt3A : i32 to vector<1x32768xi32>
    %lt3A_15 = arith.cmpi slt, %add3A_13, %lt3A_14 : vector<1x32768xi32>
    %jit3A = arith.constant 0xFF800000 : f32
    %broadcast_in_dim3A_16 = vector.broadcast %jit3A : f32 to vector<1x32768xf32>
    %select_n3A = arith.select %lt3A_15, %add3A, %broadcast_in_dim3A_16 : vector<1x32768xi1>, vector<1x32768xf32>
    %lt3A_17 = arith.constant 30 : i32
    %lt3A_18 = arith.cmpi slt, %arg0, %lt3A_17 : i32
    %convert_element_type3A_19 = arith.extui %lt3A_18 : i1 to i32
    %cond3A_20 = arith.constant 0 : i32
    %cond3A_21 = arith.cmpi ne, %convert_element_type3A_19, %cond3A_20 : i32
    scf.if %cond3A_21 {
      %mul3A_48 = arith.constant 32768 : i32
      %mul3A_49 = arith.muli %arg0, %mul3A_48 : i32
      %swap3A_50 = arith.constant 0 : index
      %swap3A_51 = arith.index_cast %mul3A_49 : i32 to index
      %swap3A_52 = vector.load %arg4[%swap3A_50, %swap3A_51] : memref<1x1000000xf32, #tpu.memory_space<vmem>>, vector<1x32768xf32>
      tpu.vector_store %arg4[%swap3A_50, %swap3A_51], %select_n3A {strides = array<i32>} : memref<1x1000000xf32, #tpu.memory_space<vmem>>, vector<1x32768xf32>,
    } else {
    }
    %get3A_22 = arith.constant 0 : index
    %get3A_23 = memref.load %arg5[%get3A_22] : memref<1xf32, #tpu.memory_space<smem>>
    %reduce_max3A = vector.shape_cast %select_n3A : vector<1x32768xf32> to vector<1x1x32768xf32>
    %reduce_max3A_24 = arith.constant dense<0xFF800000> : vector<1xf32>
    %reduce_max3A_25 = vector.multi_reduction <maximumf>, %reduce_max3A, %reduce_max3A_24 [1, 2] : vector<1x1x32768xf32> to vector<1xf32>
    %reduce_max3A_26 = vector.shape_cast %reduce_max3A_25 : vector<1xf32> to vector<1x1x1xf32>
    %reduce_max3A_27 = vector.extract %reduce_max3A_26[0, 0, 0] : f32 from vector<1x1x1xf32>
    %max3A = arith.maximumf %get3A_23, %reduce_max3A_27 : f32
    %get3A_28 = arith.constant 0 : index
    %get3A_29 = memref.load %arg6[%get3A_28] : memref<1xf32, #tpu.memory_space<smem>>
    %sub3A = arith.subf %get3A_23, %max3A : f32
    %exp3A = math.exp %sub3A : f32
    %mul3A_30 = arith.mulf %get3A_29, %exp3A : f32
    %sub3A_31 = vector.broadcast %max3A : f32 to vector<1x32768xf32>
    %sub3A_32 = arith.subf %select_n3A, %sub3A_31 : vector<1x32768xf32>
    %exp3A_33 = math.exp %sub3A_32 : vector<1x32768xf32>
    %reduce_sum3A_34 = vector.shape_cast %exp3A_33 : vector<1x32768xf32> to vector<1x1x32768xf32>
    %reduce_sum3A_35 = arith.constant dense<0.000000e+00> : vector<1xf32>
    %reduce_sum3A_36 = vector.multi_reduction <add>, %reduce_sum3A_34, %reduce_sum3A_35 [1, 2] : vector<1x1x32768xf32> to vector<1xf32>
    %reduce_sum3A_37 = vector.shape_cast %reduce_sum3A_36 : vector<1xf32> to vector<1x1x1xf32>
    %reduce_sum3A_38 = vector.extract %reduce_sum3A_37[0, 0, 0] : f32 from vector<1x1x1xf32>
    %add3A_39 = arith.addf %mul3A_30, %reduce_sum3A_38 : f32
    %swap3A = arith.constant 0 : index
    %swap3A_40 = memref.load %arg5[%swap3A] : memref<1xf32, #tpu.memory_space<smem>>
    memref.store %max3A, %arg5[%swap3A] : memref<1xf32, #tpu.memory_space<smem>>
    %swap3A_41 = arith.constant 0 : index
    %swap3A_42 = memref.load %arg6[%swap3A_41] : memref<1xf32, #tpu.memory_space<smem>>
    memref.store %add3A_39, %arg6[%swap3A_41] : memref<1xf32, #tpu.memory_space<smem>>
    %eq3A_43 = arith.constant 30 : i32
    %eq3A_44 = arith.cmpi eq, %arg0, %eq3A_43 : i32
    %convert_element_type3A_45 = arith.extui %eq3A_44 : i1 to i32
    %cond3A_46 = arith.constant 0 : i32
    %cond3A_47 = arith.cmpi ne, %convert_element_type3A_45, %cond3A_46 : i32
    scf.if %cond3A_47 {
      %slice3A = vector.extract_strided_slice %select_n3A {offsets = [0, 0], sizes = [1, 16960], strides = [1, 1]} : vector<1x32768xf32> to vector<1x16960xf32>
      %swap3A_48 = arith.constant 0 : index
      %swap3A_49 = arith.constant 983040 : index
      %swap3A_50 = vector.load %arg4[%swap3A_48, %swap3A_49] : memref<1x1000000xf32, #tpu.memory_space<vmem>>, vector<1x16960xf32>
      tpu.vector_store %arg4[%swap3A_48, %swap3A_49], %slice3A {strides = array<i32>} : memref<1x1000000xf32, #tpu.memory_space<vmem>>, vector<1x16960xf32>,
      %log3A = math.log %add3A_39 : f32
      %add3A_51 = arith.addf %max3A, %log3A : f32
      %scan3A = arith.constant 0 : i32
      %scan3A_52 = arith.constant 30 : i32
      %scan3A_53 = arith.addi %scan3A, %scan3A_52 : i32
      %scan3A_54 = arith.constant 1 : i32
      scf.for %scan3A_64 = %scan3A to %scan3A_53 step %scan3A_54  : i32 {
        %mul3A_65 = arith.constant 32768 : i32
        %mul3A_66 = arith.muli %scan3A_64, %mul3A_65 : i32
        %get3A_67 = arith.constant 0 : index
        %get3A_68 = arith.index_cast %mul3A_66 : i32 to index
        %get3A_69 = vector.load %arg4[%get3A_67, %get3A_68] : memref<1x1000000xf32, #tpu.memory_space<vmem>>, vector<1x32768xf32>
        %sub3A_70 = vector.broadcast %add3A_51 : f32 to vector<1x32768xf32>
        %sub3A_71 = arith.subf %get3A_69, %sub3A_70 : vector<1x32768xf32>
        %mul3A_72 = arith.constant 32768 : i32
        %mul3A_73 = arith.muli %scan3A_64, %mul3A_72 : i32
        %swap3A_74 = arith.constant 0 : index
        %swap3A_75 = arith.index_cast %mul3A_73 : i32 to index
        %swap3A_76 = vector.load %arg4[%swap3A_74, %swap3A_75] : memref<1x1000000xf32, #tpu.memory_space<vmem>>, vector<1x32768xf32>
        tpu.vector_store %arg4[%swap3A_74, %swap3A_75], %sub3A_71 {strides = array<i32>} : memref<1x1000000xf32, #tpu.memory_space<vmem>>, vector<1x32768xf32>,
      }
      %scan3A_55 = arith.constant 30 : i32
      %get3A_56 = arith.constant 0 : index
      %get3A_57 = arith.constant 983040 : index
      %get3A_58 = vector.load %arg4[%get3A_56, %get3A_57] : memref<1x1000000xf32, #tpu.memory_space<vmem>>, vector<1x16960xf32>
      %sub3A_59 = vector.broadcast %add3A_51 : f32 to vector<1x16960xf32>
      %sub3A_60 = arith.subf %get3A_58, %sub3A_59 : vector<1x16960xf32>
      %swap3A_61 = arith.constant 0 : index
      %swap3A_62 = arith.constant 983040 : index
      %swap3A_63 = vector.load %arg4[%swap3A_61, %swap3A_62] : memref<1x1000000xf32, #tpu.memory_space<vmem>>, vector<1x16960xf32>
      tpu.vector_store %arg4[%swap3A_61, %swap3A_62], %sub3A_60 {strides = array<i32>} : memref<1x1000000xf32, #tpu.memory_space<vmem>>, vector<1x16960xf32>,
    } else {
    }
    return
  }
  func.func @transform_0(%arg0: i32) -> (i32, i32) {
    %c0_i32 = arith.constant 0 : i32
    %c0_i32_0 = arith.constant 0 : i32
    %c0_i32_1 = arith.constant 0 : i32
    return %c0_i32, %c0_i32_0 : i32, i32
  }
  func.func @transform_1(%arg0: i32) -> (i32, i32) {
    %c0_i32 = arith.constant 0 : i32
    %c0_i32_0 = arith.constant 0 : i32
    return %c0_i32, %arg0 : i32, i32
  }
  func.func @transform_2(%arg0: i32) -> i32 {
    %c0_i32 = arith.constant 0 : i32
    return %arg0 : i32
  }
  func.func @transform_3(%arg0: i32) -> (i32, i32) {
    %c0_i32 = arith.constant 0 : i32
    %c0_i32_0 = arith.constant 0 : i32
    %c0_i32_1 = arith.constant 0 : i32
    return %c0_i32, %c0_i32_0 : i32, i32
  }
}

</mosaic_0001>

<sc_bundles>
// kernel: kernel.4.cloned.1.call-start
scs
__scs_entry_jumppad:
0x0: {  	(pc) =	sbr.rel $0x88, $3  }
0x1: {  	(tag) =	ssettag $0x0;
	lr =	simm.s32 $0x1  }
0x2: {  	[smem:$0x3F9D] =	sst lr;
	_ =	strace $0xD0000000  }
0x3: {  	_ = 	snop  }
0x4: {  	_ = 	snop  }
0x5: {  	_ = 	snop  }
0x6: {  	_ = 	snop  }
0x7: {  	_ = 	snop  }
__scs_overlays_trampoline_lowered:
0x8: {  	[smem:$0x3FAC] =	sst s0  }
0x9: {  	[smem:$0x3FAD] =	sst s1  }
0xa: {  	[smem:$0x3FAE] =	sst s2  }
0xb: {  	[smem:$0x3FAF] =	sst s3  }
0xc: {  	[smem:$0x3FB0] =	sst s4  }
0xd: {  	[smem:$0x3FB1] =	sst s5  }
0xe: {  	[smem:$0x3FB2] =	sst s6  }
0xf: {  	[smem:$0x3FB3] =	sst s7  }
0x10: {  	[smem:$0x3FB4] =	sst s8  }
0x11: {  	[smem:$0x3FB5] =	sst s9;
	s0 =	simm.s32 @!p0 $0x0  }
0x12: {  	s1 =	sld [smem:$0x3F9B];
	s0 =	simm.s32 @p0 $0x1  }
0x13: {  	[smem:$0x3FB6] =	sst s0;
	s0 =	simm.s32 @!p1 $0x0  }
0x14: {  	s2 =	sld [smem:$0x3F9A];
	s0 =	simm.s32 @p1 $0x1  }
0x15: {  	[smem:$0x3FB7] =	sst s0;
	s0 =	simm.s32 @!p2 $0x0  }
0x16: {  	s3 =	sld [smem:$0x3FDB];
	s0 =	simm.s32 @p2 $0x1  }
0x17: {  	s4 =	simm.s32 $0x1BF5;
	[smem:$0x3FB9] =	sst s0  }
0x18: {  	s0 =	sld [smem:$0x3F9C];
	_ =	swait.ge [sflag:s4], $0x0  }
0x19: {  	s7 =	sld [smem:$0x3F9D]  }
0x1a: {  	s8 =	sadd.s32 $0xFFFFE003, lr  }
0x1b: {  	s9 =	sadd.s32 $0xFFFFFEF7, lr;
	s5 =	simm.s32 $0xFFFFFFFF;
	p2 =	slt.u32 s8, $0xFFFFF086  }
0x1c: {  	p1 =	slt.u32 s9, $0xF7A;
	s5 =	simm.s32 @!p2 $0x0  }
0x1d: {  	s5 =	simm.s32 @p1 $0x1;
	p0 =	seq.s32 s7, s2  }
0x1e: {  	s7 =	smul.u32 @!p0 $0xF7A, s2;
	p2 =	seq.s32 @!p0 s5, $0x0  }
0x1f: {  	s9 =	smul.u32 $0xF7A, s1;
	s8 =	simm.s32 @!p0 $0x1BF5;
	p2 =	por !p2, p0  }
0x20: {  	[sflag:s8] =	ssyncset.s32 @!p0 $0xFFFFF086;
	s6 =	sadd.s32 @!p0 s3, s7;
	s7 =	simm.s32 @!p0 $0x108  }
0x21: {  	s3 =	sadd.s32 s3, s9;
	s6 =	sadd.s32 @!p0 $0x88, s6;
	s7 =	simm.s32 @p2 $0x1082  }
0x22: {  	[simem:s7], [sflag:s8] =	dma.local @!p0 [hbm:s6], $0xF7A  }
0x23: {  	s9 =	sor.u32 $0xD0000000, s2;
	s6 =	simm.s32 $0x108;
	_ =	swait.ge @!p0 [sflag:s8], $0x0  }
0x24: {  	s3 =	sadd.s32 $0x88, s3;
	s6 =	simm.s32 @!p1 $0x1082;
	[sflag:s4] =	ssyncset.s32 $0xFFFFF086  }
0x25: {  	[simem:s6], [sflag:s4] =	dma.local [hbm:s3], $0xF7A  }
0x26: {  	[smem:$0x3F9D] =	sst s1;
	(tag) =	ssettag s2;
	_ =	strace s9  }
0x27: {  	s1 =	sld [smem:$0x3FAD]  }
0x28: {  	s2 =	sld [smem:$0x3FAE]  }
0x29: {  	s4 =	sld [smem:$0x3FB0]  }
0x2a: {  	p0 =	seq.s32 s5, $0x0;
	s5 =	sld [smem:$0x3FB1]  }
0x2b: {  	s6 =	sld [smem:$0x3FB2]  }
0x2c: {  	s7 =	sld [smem:$0x3FB3]  }
0x2d: {  	s3 =	simm.s32 $0x108;
	s8 =	sld [smem:$0x3FB4]  }
0x2e: {  	s3 =	simm.s32 @!p0 $0x1082;
	s9 =	sld [smem:$0x3FB5]  }
0x2f: {  	lr =	sadd.s32 s0, s3;
	s0 =	sld [smem:$0x3FAC]  }
0x30: {  	s3 =	sld [smem:$0x3FAF]  }
0x31: {  	[smem:$0x3FB8] =	sst s10  }
0x32: {  	s10 =	sld [smem:$0x3FB6];
	_ =	sdelay $0x3  }
0x33: {  	p0 =	seq.s32 s10, $0x1;
	s10 =	sld [smem:$0x3FB8];
	_ =	sdelay $0x3  }
0x34: {  	[smem:$0x3FB8] =	sst s10  }
0x35: {  	s10 =	sld [smem:$0x3FB7];
	_ =	sdelay $0x3  }
0x36: {  	p1 =	seq.s32 s10, $0x1;
	s10 =	sld [smem:$0x3FB8];
	_ =	sdelay $0x3  }
0x37: {  	[smem:$0x3FB8] =	sst s10  }
0x38: {  	s10 =	sld [smem:$0x3FB9]  }
0x39: {  	_ = 	snop;
	(pc) =	sbr.ind lr, $3  }
0x3a: {  	_ = 	snop  }
0x3b: {  	_ = 	snop  }
0x3c: {  	p2 =	seq.s32 s10, $0x1;
	s10 =	sld [smem:$0x3FB8]  }
0x3d: {  	_ =	shalt  }
0x3e: {  	_ =	shalt  }
0x3f: {  	_ =	shalt  }
0x40: {  	_ =	shalt  }
0x41: {  	_ =	shalt  }
0x42: {  	_ =	shalt  }
0x43: {  	_ =	shalt  }
0x44: {  	_ =	shalt  }
0x45: {  	_ =	shalt  }
0x46: {  	_ =	shalt  }
0x47: {  	_ =	shalt  }
0x48: {  	_ =	shalt  }
0x49: {  	_ =	shalt  }
0x4a: {  	_ =	shalt  }
0x4b: {  	_ =	shalt  }
0x4c: {  	_ =	shalt  }
0x4d: {  	_ =	shalt  }
0x4e: {  	_ =	shalt  }
0x4f: {  	_ =	shalt  }
0x50: {  	_ =	shalt  }
0x51: {  	_ =	shalt  }
0x52: {  	_ =	shalt  }
0x53: {  	_ =	shalt  }
0x54: {  	_ =	shalt  }
0x55: {  	_ =	shalt  }
0x56: {  	_ =	shalt  }
0x57: {  	_ =	shalt  }
0x58: {  	_ =	shalt  }
0x59: {  	_ =	shalt  }
0x5a: {  	_ =	shalt  }
0x5b: {  	_ =	shalt  }
0x5c: {  	_ =	shalt  }
0x5d: {  	_ =	shalt  }
0x5e: {  	_ =	shalt  }
0x5f: {  	_ =	shalt  }
0x60: {  	_ =	shalt  }
0x61: {  	_ =	shalt  }
0x62: {  	_ =	shalt  }
0x63: {  	_ =	shalt  }
0x64: {  	_ =	shalt  }
0x65: {  	_ =	shalt  }
0x66: {  	_ =	shalt  }
0x67: {  	_ =	shalt  }
0x68: {  	_ =	shalt  }
0x69: {  	_ =	shalt  }
0x6a: {  	_ =	shalt  }
0x6b: {  	_ =	shalt  }
0x6c: {  	_ =	shalt  }
0x6d: {  	_ =	shalt  }
0x6e: {  	_ =	shalt  }
0x6f: {  	_ =	shalt  }
0x70: {  	_ =	shalt  }
0x71: {  	_ =	shalt  }
0x72: {  	_ =	shalt  }
0x73: {  	_ =	shalt  }
0x74: {  	_ =	shalt  }
0x75: {  	_ =	shalt  }
0x76: {  	_ =	shalt  }
0x77: {  	_ =	shalt  }
0x78: {  	_ =	shalt  }
0x79: {  	_ =	shalt  }
0x7a: {  	_ =	shalt  }
0x7b: {  	_ =	shalt  }
0x7c: {  	_ =	shalt  }
0x7d: {  	_ =	shalt  }
0x7e: {  	_ =	shalt  }
0x7f: {  	_ =	shalt  }
0x80: {  	_ =	shalt  }
0x81: {  	_ =	shalt  }
0x82: {  	_ =	shalt  }
0x83: {  	_ =	shalt  }
0x84: {  	_ =	shalt  }
0x85: {  	_ =	shalt  }
0x86: {  	_ =	shalt  }
0x87: {  	_ =	shalt  }
.Lfunc_end0:
.L_simem_size_0:
called_computation_lowered:
.L_overlay_start_0:
0x88: {  	s2 =	sld [smem:$0x3FD9]  }
0x89: {  	s3 =	sld [smem:$0x3FFE];
	_ =	sdelay $0x1  }
0x8a: {  	s1 =	srdreg.scid  }
0x8b: {  	s0 =	sand.u32 $0x1, s1  }
0x8c: {  	s18 =	sshll.u32 s0, $0xA;
	s2 =	sadd.s32 s3, s2  }
0x8d: {  	s2 =	sadd.s32 s2, s18  }
0x8e: {  	[smem:$0x3FC4] =	sst s2  }
0x8f: {  	_ = 	snop  }
0x90: {  	s2 =	sld [smem:$0x3FC9]  }
0x91: {  	s19 =	sld [smem:$0x3FC8]  }
0x92: {  	s4 =	sld [smem:$0x3FD0];
	(tm) =	ssettm $0x1  }
0x93: {  	s5 =	sld [smem:$0x3FFB];
	_ =	sdelay $0x3  }
0x94: {  	_ =	strace s5  }
0x95: {  	s5 =	sld [smem:$0x3FFC];
	_ =	sdelay $0x3  }
0x96: {  	_ =	strace s5  }
0x97: {  	s5 =	sld [smem:$0x3FFD];
	_ =	sdelay $0x3  }
0x98: {  	_ =	strace s5  }
0x99: {  	_ =	strace $0x8FFFFFFF  }
0x9a: {  	s20 =	sld [smem:$0x3FDB];
	_ =	sdelay $0x1  }
0x9b: {  	s6 =	simm.s32 $_scs_section_size  }
0x9c: {  	s7 =	simm.s32 $_size__tile_overlayer_lowered;
	s8 =	simm.s32 $_tile_overlayer_lowered  }
0x9d: {  	s23 =	simm.s32 $0x1BFF;
	s22 =	sshll.u32 s8, $0x1;
	s5 =	sadd.s32 s6, s20  }
0x9e: {  	s9 =	simm.s32 $0x0;
	s21 =	sshll.u32 s7, $0x1;
	s7 =	sadd.s32 s22, s5  }
0x9f: {  	[timem:s9], [sflag:s23] =	dma.local [hbm:s7], s21  }
0xa0: {  	_ =	swait.ge [sflag:s23], s21  }
0xa1: {  	s6 =	ssub.s32 $0x0, s21;
	[sflag:s23] =	ssyncset.done $0x0  }
0xa2: {  	[sflag:s23] =	ssyncadd.s32 s6;
	_ =	sdelay $0x1  }
0xa3: {  	s24 =	simm.s32 $0x1B8B  }
0xa4: {  	_ =	swait.ge [sflag:s24], $0x1  }
0xa5: {  	[sflag:s24] =	ssyncset.done $0x0  }
0xa6: {  	s25 =	simm.s32 $0x1B8E;
	[sflag:s24] =	ssyncadd.s32 $0xFFFFFFFF  }
0xa7: {  	s26 =	simm.s32 $execute0_lowered;
	[smem:$0x3FD2] =	sst s25  }
0xa8: {  	s6 =	sshll.u32 s26, $0x1;
	_ =	strace $0x80000046;
	[dreg:$0x1] =	wrdreg $0xFFFFFFFF  }
0xa9: {  	s28 =	simm.s32 $_size_execute0_lowered;
	s5 =	sadd.s32 s5, s6;
	[dreg:$0x0] =	wrdreg $0x0  }
0xaa: {  	s6 =	sshll.u32 s28, $0x1;
	[dreg:$0x2] =	wrdreg s5  }
0xab: {  	[dreg:$0x3] =	wrdreg s6  }
0xac: {  	[dreg:$0x4] =	wrdreg $0xC0  }
0xad: {  	_ =	task [dreg:s9], $0x5FFFF  }
0xae: {  	[dreg:$0x1] =	wrdreg $0xFFFFFFFF  }
0xaf: {  	[dreg:$0x0] =	wrdreg $0x60  }
0xb0: {  	[dreg:$0x2] =	wrdreg s2  }
0xb1: {  	[dreg:$0x3] =	wrdreg s19  }
0xb2: {  	[dreg:$0x4] =	wrdreg s4  }
0xb3: {  	[dreg:$0x5] =	wrdreg $0x9  }
0xb4: {  	_ =	task.clear_ibuf [dreg:s9], $0x6FFFF;
	_ =	strace $0x90000046  }
0xb5: {  	s29 =	simm.s32 $0x9;
	_ =	strace $0x80000048  }
0xb6: {  	_ =	swait.ge [sflag:s29], $0x1  }
0xb7: {  	[sflag:s29] =	ssyncadd.s32 $0xFFFFFFFF  }
0xb8: {  	_ =	strace $0x90000048  }
0xb9: {  	_ =	sfence  }
0xba: {  	s30 =	sld [smem:$0x0];
	_ =	sdelay $0x2  }
0xbb: {  	s31 =	sshll.u32 s1, $0xD;
	s1 =	sshrl.u32 s1, $0x2  }
0xbc: {  	s3 =	sand.u32 $0x4000, s31;
	s1 =	sadd.s32 s1, s30  }
0xbd: {  	s0 =	sor.u32 s3, s0;
	s1 =	sshll.u32 s1, $0x11  }
0xbe: {  	s0 =	sor.u32 s1, s0  }
0xbf: {  	s0 =	sadd.s32 $0x8F2B, s0  }
0xc0: {  	[sflag:s0] =	ssyncadd.remote.s32 $0x1  }
0xc1: {  	_ =	sfence.sel $0xFFFF  }
0xc2: {  	[dreg:$0x0] =	wrdreg $0xFFFFFFFF;
	(pc) =	sbr.abs _section_cstart, $3  }
0xc3: {  	[dreg:$0x1] =	wrdreg $0xFFFFFFFF  }
0xc4: {  	_ =	task.clear_ibuf [dreg:s9], $0x2FFFF;
	_ =	strace $0x9FFFFFFF  }
0xc5: {  	(tm) =	ssettm $0x7FFFFFFF  }
tec
execute0_lowered:
.L_overlay_start_1:
0x0: {  	(tag) =	ssettag $0x1  }
0x1: {  	v0 =	vlaneseq.u32  }
0x2: {  	v0 =	vmul.u32 $0x80, v0  }
0x3: {  	s0 =	rddreg [dreg:$0x0]  }
0x4: {  	s2 =	rddreg [dreg:$0x1];
	v1 =	vimm.f32 $0.0e+00;
	v2 =	vor.u32 $0x800, v0  }
0x5: {  	s1 =	rddreg [dreg:$0x2];
	v3 =	vor.u32 $0x1000, v0;
	v4 =	vor.u32 $0x1800, v0;
	v5 =	vor.u32 $0x2000, v0  }
0x6: {  	s3 =	srdreg.scid;
	s6 =	stileid.u32;
	v6 =	vor.u32 $0x2800, v0;
	v7 =	vor.u32 $0x3000, v0;
	v8 =	vor.u32 $0x3800, v0  }
0x7: {  	s4 =	simm.s32 $0x0;
	s9 =	simm.s32 $0x400;
	s10 =	simm.s32 $0x7A1400;
	v9 =	vor.u32 $0x4000, v0;
	v10 =	vor.u32 $0x4800, v0;
	v11 =	vor.u32 $0x5000, v0  }
0x8: {  	s11 =	simm.s32 $0x100;
	s17 =	simm.s32 $0xC100;
	s18 =	simm.s32 $0xE100;
	v12 =	vor.u32 $0x5800, v0;
	v13 =	vor.u32 $0x6000, v0;
	v14 =	vor.u32 $0x6800, v0  }
0x9: {  	s19 =	simm.s32 $0x1;
	s20 =	simm.s32 $0x10100;
	s3 =	sand.u32 $0x1, s3;
	v15 =	vor.u32 $0x7000, v0;
	v16 =	vor.u32 $0x7800, v0;
	v17 =	vor.u32 $0x8000, v0  }
.Ltmp0:
0xa: {  	s6 =	sshll.u32 s6, $0x1;
	[smem:$0x7FF] =	sst s4;
	v18 =	vor.u32 $0x8800, v0;
	v19 =	vor.u32 $0x9000, v0;
	v20 =	vor.u32 $0x9800, v0;
	(pc) =	sbr.rel .LBB2_1-.Ltmp0, $4  }
0xb: {  	s5 =	ssub.s32 $0x2, s3;
	s3 =	sor.u32 s3, s6;
	_ =	strace $0x80000047;
	v21 =	vor.u32 $0xA000, v0;
	v22 =	vor.u32 $0xA800, v0;
	v23 =	vor.u32 $0xB000, v0  }
0xc: {  	s7 =	sshrl.u32 s5, $0x1;
	s31 =	sshll.u32 s3, $0x4;
	s8 =	sshll.u32 s3, $0x5;
	v24 =	vor.u32 $0xB800, v0;
	v25 =	vor.u32 $0xC000, v0;
	v26 =	vor.u32 $0xC800, v0  }
0xd: {  	p0 =	sgt.u32 s3, $0x18;
	v27 =	vor.u32 $0xD000, v0;
	v28 =	vor.u32 $0xD800, v0;
	v29 =	vor.u32 $0xE000, v0;
	s30 =	ssub.s32 s5, s7;
	s5 =	sadd.s32 s1, s31  }
0xe: {  	v30 =	vor.u32 $0xE800, v0;
	v31 =	vor.u32 $0xF000, v0;
	v32 =	vor.u32 $0xF800, v0;
	s7 =	simm.s32 $0x2;
	s8 =	sshrl.u32 s8, $0x2;
	s6 =	smax.u32 s30, $0x1  }
.LBB2_3:
0xf: {  	s6 =	sadd.s32 $0xFFFFFFFF, s6  }
0x10: {  	p1 =	sne.s32 s6, $0x0  }
.Ltmp1:
0x11: {  	_ = 	snop;
	(pc) =	sbr.rel @!p1 .LBB2_4-.Ltmp1, $4  }
0x12: {  	[hbm4b:s5+s4] =	stream.linear.scatter [tilespmem:s20], [sflag:$0x2], $0x80, $0x38;
	[tilespmem:$0x10180] =	vst v63  }
0x13: {  	_ =	swait.ge [sflag:s7], $0x80  }
0x14: {  	[sflag:s7] =	ssyncset.done $0x0  }
0x15: {  	[sflag:s7] =	ssyncadd.s32 $0xFFFFFF80  }
.LBB2_1:
0x16: {  	[tilespmem:s4], [sflag:$0x2] =	stream.linear.gather [hbm4b:s0+s4], $0xC8, $0x38;
	[tilespmem:$0x10180] =	vst v63  }
0x17: {  	_ =	swait.ge [sflag:s7], $0xC8  }
0x18: {  	[sflag:s7] =	ssyncset.done $0x0  }
.Ltmp2:
0x19: {  	[sflag:s7] =	ssyncadd.s32 $0xFFFFFF38;
	(pc) =	sbr.rel @p0 .LBB2_3-.Ltmp2, $4  }
0x1a: {  	[tilespmem:$0x10100] =	vst v1  }
0x1b: {  	[tilespmem:$0x10110] =	vst v1  }
0x1c: {  	[tilespmem:$0x10120] =	vst v1  }
0x1d: {  	[tilespmem:$0x10130] =	vst v1  }
0x1e: {  	v33 =	vld [tilespmem:s8+$0x0];
	_ =	sdelay $0x4  }
0x1f: {  	(v2sf) =	vpush v33, $0x0;
	_ =	sdelay $0x3  }
0x20: {  	(v2sf) =	vpush v33, $0x1;
	_ =	sdelay $0x4  }
0x21: {  	(v2sf) =	vpush v33, $0x2;
	_ =	sdelay $0x5  }
0x22: {  	s13 =	spop (v2sf)  }
0x23: {  	s1 =	sshra.s32 s13, $0x1F  }
0x24: {  	(v2sf) =	vpush v33, $0x3;
	s1 =	sshrl.u32 s1, $0x19  }
0x25: {  	s22 =	sadd.s32 s1, s13  }
0x26: {  	s3 =	spop (v2sf);
	s1 =	sand.u32 $0x1FFFFF80, s22  }
0x27: {  	s25 =	sshra.s32 s3, $0x1F;
	s1 =	sadd.s32 s2, s1  }
0x28: {  	(v2sf) =	vpush v33, $0x4;
	[tilespmem:s11], [sflag:$0x1] =	stream.strided.gather [hbm4b:s1+s9], $0x2000, s10, s9, $0x38;
	[tilespmem:$0x10180] =	vst v63  }
0x29: {  	s1 =	sshrl.u32 s25, $0x19  }
0x2a: {  	s14 =	sadd.s32 s1, s3  }
0x2b: {  	s31 =	spop (v2sf);
	s1 =	sand.u32 $0x1FFFFF80, s14  }
0x2c: {  	s12 =	simm.s32 $0x2100;
	s26 =	sshra.s32 s31, $0x1F;
	s1 =	sadd.s32 s2, s1  }
0x2d: {  	(v2sf) =	vpush v33, $0x5;
	[tilespmem:s12], [sflag:$0x1] =	stream.strided.gather [hbm4b:s1+s9], $0x2000, s10, s9, $0x38;
	[tilespmem:$0x10180] =	vst v63  }
0x2e: {  	s1 =	sshrl.u32 s26, $0x19  }
0x2f: {  	s12 =	sadd.s32 s1, s31  }
0x30: {  	s1 =	sand.u32 $0x1FFFFF80, s12  }
0x31: {  	s15 =	simm.s32 $0x4100;
	s1 =	sadd.s32 s2, s1  }
0x32: {  	[tilespmem:s15], [sflag:$0x1] =	stream.strided.gather [hbm4b:s1+s9], $0x2000, s10, s9, $0x38;
	[tilespmem:$0x10180] =	vst v63  }
0x33: {  	s29 =	spop (v2sf)  }
0x34: {  	s28 =	sshra.s32 s29, $0x1F  }
0x35: {  	(v2sf) =	vpush v33, $0x6;
	s1 =	sshrl.u32 s28, $0x19  }
0x36: {  	s1 =	sadd.s32 s1, s29  }
0x37: {  	s26 =	spop (v2sf);
	s21 =	sand.u32 $0x1FFFFF80, s1  }
0x38: {  	s30 =	simm.s32 $0x6100;
	s15 =	sshra.s32 s26, $0x1F;
	s21 =	sadd.s32 s2, s21  }
0x39: {  	[tilespmem:s30], [sflag:$0x1] =	stream.strided.gather [hbm4b:s21+s9], $0x2000, s10, s9, $0x38;
	[tilespmem:$0x10180] =	vst v63  }
0x3a: {  	s21 =	sshrl.u32 s15, $0x19  }
0x3b: {  	s30 =	sadd.s32 s21, s26  }
0x3c: {  	(v2sf) =	vpush v33, $0x7;
	s24 =	spop (v2sf);
	s21 =	sand.u32 $0x1FFFFF80, s30  }
0x3d: {  	s16 =	simm.s32 $0x8100;
	s23 =	sshra.s32 s24, $0x1F;
	s21 =	sadd.s32 s2, s21  }
0x3e: {  	[tilespmem:s16], [sflag:$0x1] =	stream.strided.gather [hbm4b:s21+s9], $0x2000, s10, s9, $0x38;
	[tilespmem:$0x10180] =	vst v63  }
0x3f: {  	s21 =	sshrl.u32 s23, $0x19  }
0x40: {  	s28 =	sadd.s32 s21, s24  }
0x41: {  	s21 =	sand.u32 $0x1FFFFF80, s28  }
0x42: {  	s25 =	simm.s32 $0xA100;
	s21 =	sadd.s32 s2, s21  }
0x43: {  	[tilespmem:s25], [sflag:$0x1] =	stream.strided.gather [hbm4b:s21+s9], $0x2000, s10, s9, $0x38;
	[tilespmem:$0x10180] =	vst v63  }
0x44: {  	s23 =	spop (v2sf)  }
0x45: {  	s15 =	sshra.s32 s23, $0x1F  }
0x46: {  	s21 =	sshrl.u32 s15, $0x19  }
0x47: {  	s25 =	sadd.s32 s21, s23  }
0x48: {  	s21 =	sand.u32 $0x1FFFFF80, s25  }
0x49: {  	s21 =	sadd.s32 s2, s21  }
0x4a: {  	[tilespmem:s17], [sflag:$0x1] =	stream.strided.gather [hbm4b:s21+s9], $0x2000, s10, s9, $0x38;
	[tilespmem:$0x10180] =	vst v63  }
0x4b: {  	s21 =	spop (v2sf)  }
0x4c: {  	s16 =	sshra.s32 s21, $0x1F  }
0x4d: {  	s15 =	sshrl.u32 s16, $0x19  }
0x4e: {  	s16 =	sand.u32 $0xFFFFFF80, s22;
	s22 =	sadd.s32 s15, s21  }
0x4f: {  	s13 =	ssub.s32 s13, s16;
	s15 =	sand.u32 $0x1FFFFF80, s22  }
0x50: {  	v61 =	vadd.s32 s13, v0;
	s15 =	sadd.s32 s2, s15  }
0x51: {  	v34 =	vadd.s32 s13, v2;
	[tilespmem:s18], [sflag:$0x1] =	stream.strided.gather [hbm4b:s15+s9], $0x2000, s10, s9, $0x38;
	[tilespmem:$0x10180] =	vst v63  }
0x52: {  	v35 =	vadd.s32 s13, v3;
	_ =	swait.ge [sflag:s19], $0x2000  }
0x53: {  	v36 =	vadd.s32 s13, v4;
	[sflag:s19] =	ssyncset.done $0x0  }
0x54: {  	s14 =	sand.u32 $0xFFFFFF80, s14;
	[sflag:s19] =	ssyncadd.s32 $0xFFFFE000  }
0x55: {  	s3 =	ssub.s32 s3, s14;
	v33 =	vld.idx.msk [tilespmem:v61+s11+$0x0], $0xffff  }
0x56: {  	v37 =	vadd.s32 s3, v5;
	v34 =	vld.idx.msk [tilespmem:v34+s11+$0x0], $0xffff  }
0x57: {  	v38 =	vadd.s32 s3, v6;
	v35 =	vld.idx.msk [tilespmem:v35+s11+$0x0], $0xffff  }
0x58: {  	v39 =	vadd.s32 s3, v7;
	v36 =	vld.idx.msk [tilespmem:v36+s11+$0x0], $0xffff;
	_ =	swait.ge [sflag:s19], $0x2000  }
0x59: {  	v40 =	vadd.s32 s3, v8;
	[sflag:s19] =	ssyncset.done $0x0  }
0x5a: {  	s15 =	sand.u32 $0xFFFFFF80, s12;
	[sflag:s19] =	ssyncadd.s32 $0xFFFFE000  }
0x5b: {  	s3 =	ssub.s32 s31, s15;
	v37 =	vld.idx.msk [tilespmem:v37+s11+$0x0], $0xffff  }
0x5c: {  	v41 =	vadd.s32 s3, v9;
	v38 =	vld.idx.msk [tilespmem:v38+s11+$0x0], $0xffff  }
0x5d: {  	v42 =	vadd.s32 s3, v10;
	v39 =	vld.idx.msk [tilespmem:v39+s11+$0x0], $0xffff  }
0x5e: {  	v43 =	vadd.s32 s3, v11;
	v40 =	vld.idx.msk [tilespmem:v40+s11+$0x0], $0xffff;
	_ =	swait.ge [sflag:s19], $0x2000  }
0x5f: {  	v44 =	vadd.s32 s3, v12;
	[sflag:s19] =	ssyncset.done $0x0  }
0x60: {  	s1 =	sand.u32 $0xFFFFFF80, s1;
	[sflag:s19] =	ssyncadd.s32 $0xFFFFE000  }
0x61: {  	s1 =	ssub.s32 s29, s1;
	v41 =	vld.idx.msk [tilespmem:v41+s11+$0x0], $0xffff  }
0x62: {  	v45 =	vadd.s32 s1, v13;
	v42 =	vld.idx.msk [tilespmem:v42+s11+$0x0], $0xffff  }
0x63: {  	v46 =	vadd.s32 s1, v14;
	v43 =	vld.idx.msk [tilespmem:v43+s11+$0x0], $0xffff  }
0x64: {  	v47 =	vadd.s32 s1, v15;
	v44 =	vld.idx.msk [tilespmem:v44+s11+$0x0], $0xffff;
	_ =	swait.ge [sflag:s19], $0x2000  }
0x65: {  	v48 =	vadd.s32 s1, v16;
	[sflag:s19] =	ssyncset.done $0x0  }
0x66: {  	s16 =	sand.u32 $0xFFFFFF80, s30;
	[sflag:s19] =	ssyncadd.s32 $0xFFFFE000  }
0x67: {  	s1 =	ssub.s32 s26, s16;
	v45 =	vld.idx.msk [tilespmem:v45+s11+$0x0], $0xffff  }
0x68: {  	v49 =	vadd.s32 s1, v17;
	v46 =	vld.idx.msk [tilespmem:v46+s11+$0x0], $0xffff  }
0x69: {  	v50 =	vadd.s32 s1, v18;
	v47 =	vld.idx.msk [tilespmem:v47+s11+$0x0], $0xffff  }
0x6a: {  	v51 =	vadd.s32 s1, v19;
	v48 =	vld.idx.msk [tilespmem:v48+s11+$0x0], $0xffff;
	_ =	swait.ge [sflag:s19], $0x2000  }
0x6b: {  	v52 =	vadd.s32 s1, v20;
	[sflag:s19] =	ssyncset.done $0x0  }
0x6c: {  	s29 =	sand.u32 $0xFFFFFF80, s28;
	[sflag:s19] =	ssyncadd.s32 $0xFFFFE000  }
0x6d: {  	s1 =	ssub.s32 s24, s29;
	v49 =	vld.idx.msk [tilespmem:v49+s11+$0x0], $0xffff  }
0x6e: {  	v53 =	vadd.s32 s1, v21;
	v50 =	vld.idx.msk [tilespmem:v50+s11+$0x0], $0xffff  }
0x6f: {  	v54 =	vadd.s32 s1, v22;
	v51 =	vld.idx.msk [tilespmem:v51+s11+$0x0], $0xffff  }
0x70: {  	v55 =	vadd.s32 s1, v23;
	v52 =	vld.idx.msk [tilespmem:v52+s11+$0x0], $0xffff;
	_ =	swait.ge [sflag:s19], $0x2000  }
0x71: {  	v56 =	vadd.s32 s1, v24;
	[sflag:s19] =	ssyncset.done $0x0  }
0x72: {  	s30 =	sand.u32 $0xFFFFFF80, s25;
	[sflag:s19] =	ssyncadd.s32 $0xFFFFE000  }
0x73: {  	s1 =	ssub.s32 s23, s30;
	v53 =	vld.idx.msk [tilespmem:v53+s11+$0x0], $0xffff  }
0x74: {  	v57 =	vadd.s32 s1, v25;
	v54 =	vld.idx.msk [tilespmem:v54+s11+$0x0], $0xffff  }
0x75: {  	v58 =	vadd.s32 s1, v26;
	v55 =	vld.idx.msk [tilespmem:v55+s11+$0x0], $0xffff  }
0x76: {  	v59 =	vadd.s32 s1, v27;
	v33 =	vadd.f32 $0.0e+00, v33;
	v56 =	vld.idx.msk [tilespmem:v56+s11+$0x0], $0xffff;
	_ =	swait.ge [sflag:s19], $0x2000  }
0x77: {  	v60 =	vadd.s32 s1, v28;
	v34 =	vadd.f32 $0.0e+00, v34;
	[sflag:s19] =	ssyncset.done $0x0  }
0x78: {  	s31 =	sand.u32 $0xFFFFFF80, s22;
	v35 =	vadd.f32 $0.0e+00, v35;
	v33 =	vadd.f32 v37, v33;
	[sflag:s19] =	ssyncadd.s32 $0xFFFFE000  }
0x79: {  	s1 =	ssub.s32 s21, s31;
	v36 =	vadd.f32 $0.0e+00, v36;
	v34 =	vadd.f32 v38, v34;
	v62 =	vld.idx.msk [tilespmem:v57+s11+$0x0], $0xffff  }
0x7a: {  	v35 =	vadd.f32 v39, v35;
	v33 =	vadd.f32 v41, v33;
	v38 =	vld.idx.msk [tilespmem:v58+s11+$0x0], $0xffff;
	v57 =	vadd.s32 s1, v29  }
0x7b: {  	v36 =	vadd.f32 v40, v36;
	v34 =	vadd.f32 v42, v34;
	v63 =	vld.idx.msk [tilespmem:v59+s11+$0x0], $0xffff;
	v59 =	vadd.s32 s1, v30  }
0x7c: {  	v35 =	vadd.f32 v43, v35;
	v33 =	vadd.f32 v45, v33;
	v58 =	vld.idx.msk [tilespmem:v60+s11+$0x0], $0xffff;
	_ =	swait.ge [sflag:s19], $0x2000;
	v60 =	vadd.s32 s1, v31  }
0x7d: {  	v61 =	vadd.s32 s1, v32;
	v36 =	vadd.f32 v44, v36;
	v34 =	vadd.f32 v46, v34;
	[sflag:s19] =	ssyncset.done $0x0  }
0x7e: {  	v35 =	vadd.f32 v47, v35;
	v33 =	vadd.f32 v49, v33;
	[sflag:s19] =	ssyncadd.s32 $0xFFFFE000  }
0x7f: {  	v36 =	vadd.f32 v48, v36;
	v34 =	vadd.f32 v50, v34;
	v41 =	vld.idx.msk [tilespmem:v57+s11+$0x0], $0xffff  }
0x80: {  	v35 =	vadd.f32 v51, v35;
	v33 =	vadd.f32 v53, v33;
	v42 =	vld.idx.msk [tilespmem:v59+s11+$0x0], $0xffff  }
0x81: {  	v36 =	vadd.f32 v52, v36;
	v34 =	vadd.f32 v54, v34;
	v43 =	vld.idx.msk [tilespmem:v60+s11+$0x0], $0xffff  }
0x82: {  	v35 =	vadd.f32 v55, v35;
	v33 =	vadd.f32 v62, v33;
	v62 =	vld.idx.msk [tilespmem:v61+s11+$0x0], $0xffff  }
0x83: {  	v36 =	vadd.f32 v56, v36;
	v34 =	vadd.f32 v38, v34  }
0x84: {  	v35 =	vadd.f32 v63, v35;
	v33 =	vadd.f32 v41, v33  }
.Ltmp3:
0x85: {  	v36 =	vadd.f32 v58, v36;
	v34 =	vadd.f32 v42, v34;
	(pc) =	sbr.rel .LBB2_3-.Ltmp3, $4  }
0x86: {  	v35 =	vadd.f32 v43, v35;
	[tilespmem:$0x10100] =	vst v33  }
0x87: {  	v63 =	vadd.f32 v62, v36;
	[tilespmem:$0x10110] =	vst v34  }
0x88: {  	[tilespmem:$0x10120] =	vst v35  }
0x89: {  	[tilespmem:$0x10130] =	vst v63  }
.LBB2_4:
0x8a: {  	_ =	sfence.sel $0x180000  }
0x8b: {  	[bflag:$0x0] =	sbarrier.arrive $0xFFFF  }
0x8c: {  	_ =	strace $0x90000047  }
0x8d: {  	s0 =	stileid.u32;
	[bflag:$0x2] =	sbarrier.arrive $0xFFFF  }
0x8e: {  	p0 =	sne.s32 s0, $0x0;
	s0 =	rddreg [dreg:$0x3]  }
0x8f: {  	s0 =	sadd.s32 @!p0 $0x100000, s0  }
0x90: {  	[sflag:s0] =	ssyncadd.tile.s32 @!p0 $0x1;
	_ =	shalt  }
.Lfunc_end2:
_tile_overlayer_lowered:
.L_overlay_start_2:
0x91: {  	(tag) =	ssettag $0x2  }
0x92: {  	s0 =	rddreg [dreg:$0x0];
	s2 =	stileid.u32  }
0x93: {  	s1 =	rddreg [dreg:$0x1];
	p0 =	sne.s32 s2, $0x0  }
0x94: {  	s3 =	rddreg [dreg:$0x2];
	[bflag:$0x3] =	sbarrier.arrive $0xFFFF;
	s2 =	simm.s32 @!p0 $0x1C02  }
0x95: {  	[timem:s3], [sflag:s2] =	dma.local @!p0 [hbm:s0], s1  }
0x96: {  	s0 =	simm.s32 @!p0 $0x2  }
0x97: {  	_ =	swait.ge @!p0 [sflag:s0], s1  }
0x98: {  	s1 =	ssub.s32 @!p0 $0x0, s1;
	[sflag:s0] =	ssyncset.done @!p0 $0x0  }
0x99: {  	[sflag:s0] =	ssyncadd.s32 @!p0 s1  }
0x9a: {  	[bflag:$0x3] =	sbarrier.arrive $0xFFFF  }
0x9b: {  	_ =	shalt  }

</sc_bundles>
